<compile_context>
chip_gen: v7x
topology: tpu7x:2x2x1
jax: 0.10.2.dev20260603
libtpu: 0.0.44.dev20260713+nightly
codegen_flags: <defaults>
</compile_context>

<pallas_src>
import functools

import jax
import jax.numpy as jnp
from jax import lax
from jax.experimental import pallas as pl
from jax.experimental.pallas import tpu as pltpu
from jax.experimental.pallas import tpu_sc as plsc

B = 4096
L = 20
V = 1000
VCH = 40
NVC = V // VCH
NSLAB = L * NVC

_info = plsc.get_sparse_core_info()
NC, NS, LANES = _info.num_cores, _info.num_subcores, _info.num_lanes
NW = NC * NS
BPW = B // NW
NGRP = BPW // LANES


def _scatter_slab(buf, xv, l, voff, val):
    lane = lax.iota(jnp.int32, LANES)
    vvec = jnp.full((LANES,), val, jnp.float32)
    for k in range(NGRP):
        xval = xv[l, pl.ds(k * LANES, LANES)]
        local = xval - voff
        mask = (local >= 0) & (local < VCH)
        plsc.store_scatter(buf, [local, lane + (k * LANES)], vvec, mask=mask)


def _onehot_body(xt_hbm, zeros_hbm, out_hbm, xv, buf0, buf1, sem0, sem1):
    bufs = (buf0, buf1)
    sems = (sem0, sem1)
    wid = lax.axis_index("s") * NC + lax.axis_index("c")
    base = wid * BPW

    z0 = pltpu.make_async_copy(zeros_hbm, buf0, sem0)
    z1 = pltpu.make_async_copy(zeros_hbm, buf1, sem1)
    z0.start()
    z1.start()
    pltpu.sync_copy(xt_hbm.at[wid], xv)
    z0.wait()
    z1.wait()

    def slab_lvc(s):
        l = s // NVC
        vc = s - l * NVC
        return l, vc * VCH

    def start_slab(b, s):
        l, voff = slab_lvc(s)
        _scatter_slab(bufs[b], xv, l, voff, 1.0)
        pltpu.make_async_copy(
            bufs[b],
            out_hbm.at[l, pl.ds(voff, VCH), pl.ds(base, BPW)],
            sems[b],
        ).start()

    def finish_slab(b, s):
        l, voff = slab_lvc(s)
        pltpu.make_async_copy(
            bufs[b],
            out_hbm.at[l, pl.ds(voff, VCH), pl.ds(base, BPW)],
            sems[b],
        ).wait()
        _scatter_slab(bufs[b], xv, l, voff, 0.0)

    for b in range(2):
        start_slab(b, jnp.int32(b))

    def pair_body(g, _):
        for b in range(2):
            s = 2 * g + b
            finish_slab(b, s - 2)
            start_slab(b, s)
        return 0

    lax.fori_loop(1, NSLAB // 2, pair_body, 0)

    for b in range(2):
        l, voff = slab_lvc(jnp.int32(NSLAB - 2 + b))
        pltpu.make_async_copy(
            bufs[b],
            out_hbm.at[l, pl.ds(voff, VCH), pl.ds(base, BPW)],
            sems[b],
        ).wait()


@jax.jit
def _onehot(xt, zeros):
    mesh = plsc.VectorSubcoreMesh(core_axis_name="c", subcore_axis_name="s")
    f = functools.partial(
        pl.kernel,
        out_type=jax.ShapeDtypeStruct((L, V, B), jnp.float32),
        mesh=mesh,
        scratch_types=[
            pltpu.VMEM((L, BPW), jnp.int32),
            pltpu.VMEM((VCH, BPW), jnp.float32),
            pltpu.VMEM((VCH, BPW), jnp.float32),
            pltpu.SemaphoreType.DMA,
            pltpu.SemaphoreType.DMA,
        ],
        compiler_params=pltpu.CompilerParams(needs_layout_passes=False),
    )(_onehot_body)
    return f(xt, zeros)


def kernel(x):
    xprep = x.reshape(NW, BPW, L).transpose(0, 2, 1)
    zeros = jnp.zeros((VCH, BPW), jnp.float32)
    out = _onehot(xprep, zeros)
    return out.transpose(2, 0, 1)

# --- scband reference (transcript-rebuilt; emitter-appended) ---
"""Pipeline reference for scband-onehot-16260746183207 (READ-ONLY COPY).

The authoritative reference and input builder live on the scoring server;
editing this copy changes nothing except your own understanding.
"""

import jax, jax.numpy as jnp
import numpy as np

OUTPUT_DIM = 1000

def setup_inputs(seed: int = 0) -> dict:
    key = jax.random.key(seed)
    x = jax.random.randint(key, (4096, 20), 0, OUTPUT_DIM, dtype=jnp.int32)
    return {"x": x}

def reference(x) -> jnp.ndarray:
    # Faithful translation of keras K.one_hot(x, output_dim):
    # expands int32 indices [B, L] into float32 one-hot [B, L, output_dim].
    return jax.nn.one_hot(x, OUTPUT_DIM, dtype=jnp.float32)

if __name__ == "__main__":
    import jax
    _d = setup_inputs()
    print(jax.jit(kernel)(*tuple(_d.values())))

</pallas_src>

<mosaic_0001>
#map = affine_map<(d0, d1) -> (0, 0, 0)>
#map1 = affine_map<(d0, d1) -> (0, 0)>
module attributes {stable_mosaic.version = 14 : i64} {
  func.func @_onehot_body(%arg0: i32, %arg1: i32, %arg2: memref<32x20x128xi32, #tpu.memory_space<hbm>>, %arg3: memref<40x128xf32, #tpu.memory_space<hbm>>, %arg4: memref<20x1000x4096xf32, #tpu.memory_space<hbm>>, %arg5: memref<20x128xi32, #tpu.memory_space<vmem>>, %arg6: memref<40x128xf32, #tpu.memory_space<vmem>>, %arg7: memref<40x128xf32, #tpu.memory_space<vmem>>, %arg8: memref<!tpu.dma_semaphore, #tpu.memory_space<semaphore_mem>>, %arg9: memref<!tpu.dma_semaphore, #tpu.memory_space<semaphore_mem>>) attributes {dimension_semantics = [#tpu.dimension_semantics<core_parallel>, #tpu.dimension_semantics<subcore_parallel>], iteration_bounds = array<i64: 2, 16>, scalar_prefetch = 0 : i64, scratch_operands = 5 : i64, tpu.core_type = #tpu.core_type<sc_vector_subcore>, window_params = [{transform_indices = #map}, {transform_indices = #map1}, {transform_indices = #map}]} {
    %mul3A = arith.constant 2 : i32
    %mul3A_0 = arith.muli %arg1, %mul3A : i32
    %add3A = arith.addi %mul3A_0, %arg0 : i32
    %mul3A_1 = arith.constant 128 : i32
    %mul3A_2 = arith.muli %add3A, %mul3A_1 : i32
    tpu.enqueue_dma source(%arg3 : memref<40x128xf32, #tpu.memory_space<hbm>>) target(%arg6 : memref<40x128xf32, #tpu.memory_space<vmem>>) target_semaphore(%arg8 : memref<!tpu.dma_semaphore, #tpu.memory_space<semaphore_mem>>)
    tpu.enqueue_dma source(%arg3 : memref<40x128xf32, #tpu.memory_space<hbm>>) target(%arg7 : memref<40x128xf32, #tpu.memory_space<vmem>>) target_semaphore(%arg9 : memref<!tpu.dma_semaphore, #tpu.memory_space<semaphore_mem>>)
    "tpu.region"() ({
      %run_scoped3A = tpu.sem_alloc : memref<!tpu.dma_semaphore, #tpu.memory_space<semaphore_mem>>
      %dma_start3A_380 = arith.constant 0 : i32
      %dma_start3A_381 = arith.constant 0 : i32
      %dma_start3A_382 = tpu.memref_slice %arg2[%add3A, %dma_start3A_380, %dma_start3A_381] : memref<32x20x128xi32, #tpu.memory_space<hbm>> -> memref<1x20x128xi32, #tpu.memory_space<hbm>>
      %dma_start3A_383 = tpu.memref_squeeze %dma_start3A_382 : memref<1x20x128xi32, #tpu.memory_space<hbm>> -> memref<20x128xi32, #tpu.memory_space<hbm>>
      %dma_start3A_384 = arith.constant 0 : i32
      %dma_start3A_385 = arith.constant 0 : i32
      %dma_start3A_386 = tpu.memref_slice %arg2[%add3A, %dma_start3A_384, %dma_start3A_385] : memref<32x20x128xi32, #tpu.memory_space<hbm>> -> memref<1x20x128xi32, #tpu.memory_space<hbm>>
      %dma_start3A_387 = tpu.memref_squeeze %dma_start3A_386 : memref<1x20x128xi32, #tpu.memory_space<hbm>> -> memref<20x128xi32, #tpu.memory_space<hbm>>
      tpu.enqueue_dma source(%dma_start3A_387 : memref<20x128xi32, #tpu.memory_space<hbm>>) target(%arg5 : memref<20x128xi32, #tpu.memory_space<vmem>>) target_semaphore(%run_scoped3A : memref<!tpu.dma_semaphore, #tpu.memory_space<semaphore_mem>>)
      %dma_wait3A_388 = arith.constant 0 : i32
      %dma_wait3A_389 = arith.constant 0 : i32
      %dma_wait3A_390 = tpu.memref_slice %arg2[%add3A, %dma_wait3A_388, %dma_wait3A_389] : memref<32x20x128xi32, #tpu.memory_space<hbm>> -> memref<1x20x128xi32, #tpu.memory_space<hbm>>
      %dma_wait3A_391 = tpu.memref_squeeze %dma_wait3A_390 : memref<1x20x128xi32, #tpu.memory_space<hbm>> -> memref<20x128xi32, #tpu.memory_space<hbm>>
      %dma_wait3A_392 = arith.constant 0 : i32
      %dma_wait3A_393 = arith.constant 0 : i32
      %dma_wait3A_394 = tpu.memref_slice %arg2[%add3A, %dma_wait3A_392, %dma_wait3A_393] : memref<32x20x128xi32, #tpu.memory_space<hbm>> -> memref<1x20x128xi32, #tpu.memory_space<hbm>>
      %dma_wait3A_395 = tpu.memref_squeeze %dma_wait3A_394 : memref<1x20x128xi32, #tpu.memory_space<hbm>> -> memref<20x128xi32, #tpu.memory_space<hbm>>
      tpu.wait_dma2 semaphore(%run_scoped3A : memref<!tpu.dma_semaphore, #tpu.memory_space<semaphore_mem>>) src(%dma_wait3A_395 : memref<20x128xi32, #tpu.memory_space<hbm>>) dst(%arg5 : memref<20x128xi32, #tpu.memory_space<vmem>>)
      tpu.yield
    }) : () -> ()
    tpu.wait_dma2 semaphore(%arg8 : memref<!tpu.dma_semaphore, #tpu.memory_space<semaphore_mem>>) src(%arg3 : memref<40x128xf32, #tpu.memory_space<hbm>>) dst(%arg6 : memref<40x128xf32, #tpu.memory_space<vmem>>)
    tpu.wait_dma2 semaphore(%arg9 : memref<!tpu.dma_semaphore, #tpu.memory_space<semaphore_mem>>) src(%arg3 : memref<40x128xf32, #tpu.memory_space<hbm>>) dst(%arg7 : memref<40x128xf32, #tpu.memory_space<vmem>>)
    %jit3A = arith.constant 0 : i32
    %jit3A_3 = arith.constant 25 : i32
    %div3A = arith.divsi %jit3A, %jit3A_3 : i32
    %sign3A = arith.constant 0 : i32
    %sign3A_4 = arith.cmpi sgt, %jit3A, %sign3A : i32
    %sign3A_5 = arith.extui %sign3A_4 : i1 to i32
    %sign3A_6 = arith.constant 0 : i32
    %sign3A_7 = arith.cmpi slt, %jit3A, %sign3A_6 : i32
    %sign3A_8 = arith.extui %sign3A_7 : i1 to i32
    %sign3A_9 = arith.subi %sign3A_5, %sign3A_8 : i32
    %sign3A_10 = arith.constant 0 : i32
    %sign3A_11 = arith.cmpi sgt, %jit3A_3, %sign3A_10 : i32
    %sign3A_12 = arith.extui %sign3A_11 : i1 to i32
    %sign3A_13 = arith.constant 0 : i32
    %sign3A_14 = arith.cmpi slt, %jit3A_3, %sign3A_13 : i32
    %sign3A_15 = arith.extui %sign3A_14 : i1 to i32
    %sign3A_16 = arith.subi %sign3A_12, %sign3A_15 : i32
    %ne3A = arith.cmpi ne, %sign3A_9, %sign3A_16 : i32
    %rem3A = arith.remsi %jit3A, %jit3A_3 : i32
    %ne3A_17 = arith.constant 0 : i32
    %ne3A_18 = arith.cmpi ne, %rem3A, %ne3A_17 : i32
    %and3A = arith.andi %ne3A, %ne3A_18 : i1
    %sub3A = arith.constant 1 : i32
    %sub3A_19 = arith.subi %div3A, %sub3A : i32
    %select_n3A = arith.select %and3A, %sub3A_19, %div3A : i32
    %mul3A_20 = arith.constant 25 : i32
    %mul3A_21 = arith.muli %select_n3A, %mul3A_20 : i32
    %sub3A_22 = arith.constant 0 : i32
    %sub3A_23 = arith.subi %sub3A_22, %mul3A_21 : i32
    %mul3A_24 = arith.constant 40 : i32
    %mul3A_25 = arith.muli %sub3A_23, %mul3A_24 : i32
    %iota3A = tpu.iota {dimensions = array<i32: 0>} : vector<16xi32>
    %broadcast_in_dim3A = arith.constant 1.000000e+00 : f32
    %broadcast_in_dim3A_26 = vector.broadcast %broadcast_in_dim3A : f32 to vector<16xf32>
    %get3A = arith.index_cast %select_n3A : i32 to index
    %get3A_27 = arith.constant 0 : index
    %get3A_28 = tpu.vector_load %arg5[%get3A, %get3A_27] {strides = array<i32>} : memref<20x128xi32, #tpu.memory_space<vmem>>, vector<16xi32>,
    %sub3A_29 = vector.broadcast %mul3A_25 : i32 to vector<16xi32>
    %sub3A_30 = arith.subi %get3A_28, %sub3A_29 : vector<16xi32>
    %ge3A = arith.constant 0 : i32
    %ge3A_31 = vector.broadcast %ge3A : i32 to vector<16xi32>
    %ge3A_32 = arith.cmpi sge, %sub3A_30, %ge3A_31 : vector<16xi32>
    %lt3A = arith.constant 40 : i32
    %lt3A_33 = vector.broadcast %lt3A : i32 to vector<16xi32>
    %lt3A_34 = arith.cmpi slt, %sub3A_30, %lt3A_33 : vector<16xi32>
    %and3A_35 = arith.andi %ge3A_32, %lt3A_34 : vector<16xi1>
    %add3A_36 = arith.constant 0 : i32
    %add3A_37 = vector.broadcast %add3A_36 : i32 to vector<16xi32>
    %add3A_38 = arith.addi %iota3A, %add3A_37 : vector<16xi32>
    tpu.vector_store_idx %arg6[%sub3A_30, %add3A_38], %broadcast_in_dim3A_26 masked %and3A_35 : memref<40x128xf32, #tpu.memory_space<vmem>>[vector<16xi32>, vector<16xi32>], vector<16xf32>, vector<16xi1>
    %get3A_39 = arith.index_cast %select_n3A : i32 to index
    %get3A_40 = arith.constant 16 : index
    %get3A_41 = tpu.vector_load %arg5[%get3A_39, %get3A_40] {strides = array<i32>} : memref<20x128xi32, #tpu.memory_space<vmem>>, vector<16xi32>,
    %sub3A_42 = vector.broadcast %mul3A_25 : i32 to vector<16xi32>
    %sub3A_43 = arith.subi %get3A_41, %sub3A_42 : vector<16xi32>
    %ge3A_44 = arith.constant 0 : i32
    %ge3A_45 = vector.broadcast %ge3A_44 : i32 to vector<16xi32>
    %ge3A_46 = arith.cmpi sge, %sub3A_43, %ge3A_45 : vector<16xi32>
    %lt3A_47 = arith.constant 40 : i32
    %lt3A_48 = vector.broadcast %lt3A_47 : i32 to vector<16xi32>
    %lt3A_49 = arith.cmpi slt, %sub3A_43, %lt3A_48 : vector<16xi32>
    %and3A_50 = arith.andi %ge3A_46, %lt3A_49 : vector<16xi1>
    %add3A_51 = arith.constant 16 : i32
    %add3A_52 = vector.broadcast %add3A_51 : i32 to vector<16xi32>
    %add3A_53 = arith.addi %iota3A, %add3A_52 : vector<16xi32>
    tpu.vector_store_idx %arg6[%sub3A_43, %add3A_53], %broadcast_in_dim3A_26 masked %and3A_50 : memref<40x128xf32, #tpu.memory_space<vmem>>[vector<16xi32>, vector<16xi32>], vector<16xf32>, vector<16xi1>
    %get3A_54 = arith.index_cast %select_n3A : i32 to index
    %get3A_55 = arith.constant 32 : index
    %get3A_56 = tpu.vector_load %arg5[%get3A_54, %get3A_55] {strides = array<i32>} : memref<20x128xi32, #tpu.memory_space<vmem>>, vector<16xi32>,
    %sub3A_57 = vector.broadcast %mul3A_25 : i32 to vector<16xi32>
    %sub3A_58 = arith.subi %get3A_56, %sub3A_57 : vector<16xi32>
    %ge3A_59 = arith.constant 0 : i32
    %ge3A_60 = vector.broadcast %ge3A_59 : i32 to vector<16xi32>
    %ge3A_61 = arith.cmpi sge, %sub3A_58, %ge3A_60 : vector<16xi32>
    %lt3A_62 = arith.constant 40 : i32
    %lt3A_63 = vector.broadcast %lt3A_62 : i32 to vector<16xi32>
    %lt3A_64 = arith.cmpi slt, %sub3A_58, %lt3A_63 : vector<16xi32>
    %and3A_65 = arith.andi %ge3A_61, %lt3A_64 : vector<16xi1>
    %add3A_66 = arith.constant 32 : i32
    %add3A_67 = vector.broadcast %add3A_66 : i32 to vector<16xi32>
    %add3A_68 = arith.addi %iota3A, %add3A_67 : vector<16xi32>
    tpu.vector_store_idx %arg6[%sub3A_58, %add3A_68], %broadcast_in_dim3A_26 masked %and3A_65 : memref<40x128xf32, #tpu.memory_space<vmem>>[vector<16xi32>, vector<16xi32>], vector<16xf32>, vector<16xi1>
    %get3A_69 = arith.index_cast %select_n3A : i32 to index
    %get3A_70 = arith.constant 48 : index
    %get3A_71 = tpu.vector_load %arg5[%get3A_69, %get3A_70] {strides = array<i32>} : memref<20x128xi32, #tpu.memory_space<vmem>>, vector<16xi32>,
    %sub3A_72 = vector.broadcast %mul3A_25 : i32 to vector<16xi32>
    %sub3A_73 = arith.subi %get3A_71, %sub3A_72 : vector<16xi32>
    %ge3A_74 = arith.constant 0 : i32
    %ge3A_75 = vector.broadcast %ge3A_74 : i32 to vector<16xi32>
    %ge3A_76 = arith.cmpi sge, %sub3A_73, %ge3A_75 : vector<16xi32>
    %lt3A_77 = arith.constant 40 : i32
    %lt3A_78 = vector.broadcast %lt3A_77 : i32 to vector<16xi32>
    %lt3A_79 = arith.cmpi slt, %sub3A_73, %lt3A_78 : vector<16xi32>
    %and3A_80 = arith.andi %ge3A_76, %lt3A_79 : vector<16xi1>
    %add3A_81 = arith.constant 48 : i32
    %add3A_82 = vector.broadcast %add3A_81 : i32 to vector<16xi32>
    %add3A_83 = arith.addi %iota3A, %add3A_82 : vector<16xi32>
    tpu.vector_store_idx %arg6[%sub3A_73, %add3A_83], %broadcast_in_dim3A_26 masked %and3A_80 : memref<40x128xf32, #tpu.memory_space<vmem>>[vector<16xi32>, vector<16xi32>], vector<16xf32>, vector<16xi1>
    %get3A_84 = arith.index_cast %select_n3A : i32 to index
    %get3A_85 = arith.constant 64 : index
    %get3A_86 = tpu.vector_load %arg5[%get3A_84, %get3A_85] {strides = array<i32>} : memref<20x128xi32, #tpu.memory_space<vmem>>, vector<16xi32>,
    %sub3A_87 = vector.broadcast %mul3A_25 : i32 to vector<16xi32>
    %sub3A_88 = arith.subi %get3A_86, %sub3A_87 : vector<16xi32>
    %ge3A_89 = arith.constant 0 : i32
    %ge3A_90 = vector.broadcast %ge3A_89 : i32 to vector<16xi32>
    %ge3A_91 = arith.cmpi sge, %sub3A_88, %ge3A_90 : vector<16xi32>
    %lt3A_92 = arith.constant 40 : i32
    %lt3A_93 = vector.broadcast %lt3A_92 : i32 to vector<16xi32>
    %lt3A_94 = arith.cmpi slt, %sub3A_88, %lt3A_93 : vector<16xi32>
    %and3A_95 = arith.andi %ge3A_91, %lt3A_94 : vector<16xi1>
    %add3A_96 = arith.constant 64 : i32
    %add3A_97 = vector.broadcast %add3A_96 : i32 to vector<16xi32>
    %add3A_98 = arith.addi %iota3A, %add3A_97 : vector<16xi32>
    tpu.vector_store_idx %arg6[%sub3A_88, %add3A_98], %broadcast_in_dim3A_26 masked %and3A_95 : memref<40x128xf32, #tpu.memory_space<vmem>>[vector<16xi32>, vector<16xi32>], vector<16xf32>, vector<16xi1>
    %get3A_99 = arith.index_cast %select_n3A : i32 to index
    %get3A_100 = arith.constant 80 : index
    %get3A_101 = tpu.vector_load %arg5[%get3A_99, %get3A_100] {strides = array<i32>} : memref<20x128xi32, #tpu.memory_space<vmem>>, vector<16xi32>,
    %sub3A_102 = vector.broadcast %mul3A_25 : i32 to vector<16xi32>
    %sub3A_103 = arith.subi %get3A_101, %sub3A_102 : vector<16xi32>
    %ge3A_104 = arith.constant 0 : i32
    %ge3A_105 = vector.broadcast %ge3A_104 : i32 to vector<16xi32>
    %ge3A_106 = arith.cmpi sge, %sub3A_103, %ge3A_105 : vector<16xi32>
    %lt3A_107 = arith.constant 40 : i32
    %lt3A_108 = vector.broadcast %lt3A_107 : i32 to vector<16xi32>
    %lt3A_109 = arith.cmpi slt, %sub3A_103, %lt3A_108 : vector<16xi32>
    %and3A_110 = arith.andi %ge3A_106, %lt3A_109 : vector<16xi1>
    %add3A_111 = arith.constant 80 : i32
    %add3A_112 = vector.broadcast %add3A_111 : i32 to vector<16xi32>
    %add3A_113 = arith.addi %iota3A, %add3A_112 : vector<16xi32>
    tpu.vector_store_idx %arg6[%sub3A_103, %add3A_113], %broadcast_in_dim3A_26 masked %and3A_110 : memref<40x128xf32, #tpu.memory_space<vmem>>[vector<16xi32>, vector<16xi32>], vector<16xf32>, vector<16xi1>
    %get3A_114 = arith.index_cast %select_n3A : i32 to index
    %get3A_115 = arith.constant 96 : index
    %get3A_116 = tpu.vector_load %arg5[%get3A_114, %get3A_115] {strides = array<i32>} : memref<20x128xi32, #tpu.memory_space<vmem>>, vector<16xi32>,
    %sub3A_117 = vector.broadcast %mul3A_25 : i32 to vector<16xi32>
    %sub3A_118 = arith.subi %get3A_116, %sub3A_117 : vector<16xi32>
    %ge3A_119 = arith.constant 0 : i32
    %ge3A_120 = vector.broadcast %ge3A_119 : i32 to vector<16xi32>
    %ge3A_121 = arith.cmpi sge, %sub3A_118, %ge3A_120 : vector<16xi32>
    %lt3A_122 = arith.constant 40 : i32
    %lt3A_123 = vector.broadcast %lt3A_122 : i32 to vector<16xi32>
    %lt3A_124 = arith.cmpi slt, %sub3A_118, %lt3A_123 : vector<16xi32>
    %and3A_125 = arith.andi %ge3A_121, %lt3A_124 : vector<16xi1>
    %add3A_126 = arith.constant 96 : i32
    %add3A_127 = vector.broadcast %add3A_126 : i32 to vector<16xi32>
    %add3A_128 = arith.addi %iota3A, %add3A_127 : vector<16xi32>
    tpu.vector_store_idx %arg6[%sub3A_118, %add3A_128], %broadcast_in_dim3A_26 masked %and3A_125 : memref<40x128xf32, #tpu.memory_space<vmem>>[vector<16xi32>, vector<16xi32>], vector<16xf32>, vector<16xi1>
    %get3A_129 = arith.index_cast %select_n3A : i32 to index
    %get3A_130 = arith.constant 112 : index
    %get3A_131 = tpu.vector_load %arg5[%get3A_129, %get3A_130] {strides = array<i32>} : memref<20x128xi32, #tpu.memory_space<vmem>>, vector<16xi32>,
    %sub3A_132 = vector.broadcast %mul3A_25 : i32 to vector<16xi32>
    %sub3A_133 = arith.subi %get3A_131, %sub3A_132 : vector<16xi32>
    %ge3A_134 = arith.constant 0 : i32
    %ge3A_135 = vector.broadcast %ge3A_134 : i32 to vector<16xi32>
    %ge3A_136 = arith.cmpi sge, %sub3A_133, %ge3A_135 : vector<16xi32>
    %lt3A_137 = arith.constant 40 : i32
    %lt3A_138 = vector.broadcast %lt3A_137 : i32 to vector<16xi32>
    %lt3A_139 = arith.cmpi slt, %sub3A_133, %lt3A_138 : vector<16xi32>
    %and3A_140 = arith.andi %ge3A_136, %lt3A_139 : vector<16xi1>
    %add3A_141 = arith.constant 112 : i32
    %add3A_142 = vector.broadcast %add3A_141 : i32 to vector<16xi32>
    %add3A_143 = arith.addi %iota3A, %add3A_142 : vector<16xi32>
    tpu.vector_store_idx %arg6[%sub3A_133, %add3A_143], %broadcast_in_dim3A_26 masked %and3A_140 : memref<40x128xf32, #tpu.memory_space<vmem>>[vector<16xi32>, vector<16xi32>], vector<16xf32>, vector<16xi1>
    %dma_start3A = tpu.memref_slice %arg4[%select_n3A, %mul3A_25, %mul3A_2] : memref<20x1000x4096xf32, #tpu.memory_space<hbm>> -> memref<1x40x128xf32, #tpu.memory_space<hbm>>
    %dma_start3A_144 = tpu.memref_squeeze %dma_start3A : memref<1x40x128xf32, #tpu.memory_space<hbm>> -> memref<40x128xf32, #tpu.memory_space<hbm>>
    %dma_start3A_145 = tpu.memref_slice %arg4[%select_n3A, %mul3A_25, %mul3A_2] : memref<20x1000x4096xf32, #tpu.memory_space<hbm>> -> memref<1x40x128xf32, #tpu.memory_space<hbm>>
    %dma_start3A_146 = tpu.memref_squeeze %dma_start3A_145 : memref<1x40x128xf32, #tpu.memory_space<hbm>> -> memref<40x128xf32, #tpu.memory_space<hbm>>
    tpu.enqueue_dma source(%arg6 : memref<40x128xf32, #tpu.memory_space<vmem>>) target(%dma_start3A_146 : memref<40x128xf32, #tpu.memory_space<hbm>>) target_semaphore(%arg8 : memref<!tpu.dma_semaphore, #tpu.memory_space<semaphore_mem>>)
    %jit3A_147 = arith.constant 1 : i32
    %jit3A_148 = arith.constant 25 : i32
    %div3A_149 = arith.divsi %jit3A_147, %jit3A_148 : i32
    %sign3A_150 = arith.constant 0 : i32
    %sign3A_151 = arith.cmpi sgt, %jit3A_147, %sign3A_150 : i32
    %sign3A_152 = arith.extui %sign3A_151 : i1 to i32
    %sign3A_153 = arith.constant 0 : i32
    %sign3A_154 = arith.cmpi slt, %jit3A_147, %sign3A_153 : i32
    %sign3A_155 = arith.extui %sign3A_154 : i1 to i32
    %sign3A_156 = arith.subi %sign3A_152, %sign3A_155 : i32
    %sign3A_157 = arith.constant 0 : i32
    %sign3A_158 = arith.cmpi sgt, %jit3A_148, %sign3A_157 : i32
    %sign3A_159 = arith.extui %sign3A_158 : i1 to i32
    %sign3A_160 = arith.constant 0 : i32
    %sign3A_161 = arith.cmpi slt, %jit3A_148, %sign3A_160 : i32
    %sign3A_162 = arith.extui %sign3A_161 : i1 to i32
    %sign3A_163 = arith.subi %sign3A_159, %sign3A_162 : i32
    %ne3A_164 = arith.cmpi ne, %sign3A_156, %sign3A_163 : i32
    %rem3A_165 = arith.remsi %jit3A_147, %jit3A_148 : i32
    %ne3A_166 = arith.constant 0 : i32
    %ne3A_167 = arith.cmpi ne, %rem3A_165, %ne3A_166 : i32
    %and3A_168 = arith.andi %ne3A_164, %ne3A_167 : i1
    %sub3A_169 = arith.constant 1 : i32
    %sub3A_170 = arith.subi %div3A_149, %sub3A_169 : i32
    %select_n3A_171 = arith.select %and3A_168, %sub3A_170, %div3A_149 : i32
    %mul3A_172 = arith.constant 25 : i32
    %mul3A_173 = arith.muli %select_n3A_171, %mul3A_172 : i32
    %sub3A_174 = arith.constant 1 : i32
    %sub3A_175 = arith.subi %sub3A_174, %mul3A_173 : i32
    %mul3A_176 = arith.constant 40 : i32
    %mul3A_177 = arith.muli %sub3A_175, %mul3A_176 : i32
    %iota3A_178 = tpu.iota {dimensions = array<i32: 0>} : vector<16xi32>
    %broadcast_in_dim3A_179 = arith.constant 1.000000e+00 : f32
    %broadcast_in_dim3A_180 = vector.broadcast %broadcast_in_dim3A_179 : f32 to vector<16xf32>
    %get3A_181 = arith.index_cast %select_n3A_171 : i32 to index
    %get3A_182 = arith.constant 0 : index
    %get3A_183 = tpu.vector_load %arg5[%get3A_181, %get3A_182] {strides = array<i32>} : memref<20x128xi32, #tpu.memory_space<vmem>>, vector<16xi32>,
    %sub3A_184 = vector.broadcast %mul3A_177 : i32 to vector<16xi32>
    %sub3A_185 = arith.subi %get3A_183, %sub3A_184 : vector<16xi32>
    %ge3A_186 = arith.constant 0 : i32
    %ge3A_187 = vector.broadcast %ge3A_186 : i32 to vector<16xi32>
    %ge3A_188 = arith.cmpi sge, %sub3A_185, %ge3A_187 : vector<16xi32>
    %lt3A_189 = arith.constant 40 : i32
    %lt3A_190 = vector.broadcast %lt3A_189 : i32 to vector<16xi32>
    %lt3A_191 = arith.cmpi slt, %sub3A_185, %lt3A_190 : vector<16xi32>
    %and3A_192 = arith.andi %ge3A_188, %lt3A_191 : vector<16xi1>
    %add3A_193 = arith.constant 0 : i32
    %add3A_194 = vector.broadcast %add3A_193 : i32 to vector<16xi32>
    %add3A_195 = arith.addi %iota3A_178, %add3A_194 : vector<16xi32>
    tpu.vector_store_idx %arg7[%sub3A_185, %add3A_195], %broadcast_in_dim3A_180 masked %and3A_192 : memref<40x128xf32, #tpu.memory_space<vmem>>[vector<16xi32>, vector<16xi32>], vector<16xf32>, vector<16xi1>
    %get3A_196 = arith.index_cast %select_n3A_171 : i32 to index
    %get3A_197 = arith.constant 16 : index
    %get3A_198 = tpu.vector_load %arg5[%get3A_196, %get3A_197] {strides = array<i32>} : memref<20x128xi32, #tpu.memory_space<vmem>>, vector<16xi32>,
    %sub3A_199 = vector.broadcast %mul3A_177 : i32 to vector<16xi32>
    %sub3A_200 = arith.subi %get3A_198, %sub3A_199 : vector<16xi32>
    %ge3A_201 = arith.constant 0 : i32
    %ge3A_202 = vector.broadcast %ge3A_201 : i32 to vector<16xi32>
    %ge3A_203 = arith.cmpi sge, %sub3A_200, %ge3A_202 : vector<16xi32>
    %lt3A_204 = arith.constant 40 : i32
    %lt3A_205 = vector.broadcast %lt3A_204 : i32 to vector<16xi32>
    %lt3A_206 = arith.cmpi slt, %sub3A_200, %lt3A_205 : vector<16xi32>
    %and3A_207 = arith.andi %ge3A_203, %lt3A_206 : vector<16xi1>
    %add3A_208 = arith.constant 16 : i32
    %add3A_209 = vector.broadcast %add3A_208 : i32 to vector<16xi32>
    %add3A_210 = arith.addi %iota3A_178, %add3A_209 : vector<16xi32>
    tpu.vector_store_idx %arg7[%sub3A_200, %add3A_210], %broadcast_in_dim3A_180 masked %and3A_207 : memref<40x128xf32, #tpu.memory_space<vmem>>[vector<16xi32>, vector<16xi32>], vector<16xf32>, vector<16xi1>
    %get3A_211 = arith.index_cast %select_n3A_171 : i32 to index
    %get3A_212 = arith.constant 32 : index
    %get3A_213 = tpu.vector_load %arg5[%get3A_211, %get3A_212] {strides = array<i32>} : memref<20x128xi32, #tpu.memory_space<vmem>>, vector<16xi32>,
    %sub3A_214 = vector.broadcast %mul3A_177 : i32 to vector<16xi32>
    %sub3A_215 = arith.subi %get3A_213, %sub3A_214 : vector<16xi32>
    %ge3A_216 = arith.constant 0 : i32
    %ge3A_217 = vector.broadcast %ge3A_216 : i32 to vector<16xi32>
    %ge3A_218 = arith.cmpi sge, %sub3A_215, %ge3A_217 : vector<16xi32>
    %lt3A_219 = arith.constant 40 : i32
    %lt3A_220 = vector.broadcast %lt3A_219 : i32 to vector<16xi32>
    %lt3A_221 = arith.cmpi slt, %sub3A_215, %lt3A_220 : vector<16xi32>
    %and3A_222 = arith.andi %ge3A_218, %lt3A_221 : vector<16xi1>
    %add3A_223 = arith.constant 32 : i32
    %add3A_224 = vector.broadcast %add3A_223 : i32 to vector<16xi32>
    %add3A_225 = arith.addi %iota3A_178, %add3A_224 : vector<16xi32>
    tpu.vector_store_idx %arg7[%sub3A_215, %add3A_225], %broadcast_in_dim3A_180 masked %and3A_222 : memref<40x128xf32, #tpu.memory_space<vmem>>[vector<16xi32>, vector<16xi32>], vector<16xf32>, vector<16xi1>
    %get3A_226 = arith.index_cast %select_n3A_171 : i32 to index
    %get3A_227 = arith.constant 48 : index
    %get3A_228 = tpu.vector_load %arg5[%get3A_226, %get3A_227] {strides = array<i32>} : memref<20x128xi32, #tpu.memory_space<vmem>>, vector<16xi32>,
    %sub3A_229 = vector.broadcast %mul3A_177 : i32 to vector<16xi32>
    %sub3A_230 = arith.subi %get3A_228, %sub3A_229 : vector<16xi32>
    %ge3A_231 = arith.constant 0 : i32
    %ge3A_232 = vector.broadcast %ge3A_231 : i32 to vector<16xi32>
    %ge3A_233 = arith.cmpi sge, %sub3A_230, %ge3A_232 : vector<16xi32>
    %lt3A_234 = arith.constant 40 : i32
    %lt3A_235 = vector.broadcast %lt3A_234 : i32 to vector<16xi32>
    %lt3A_236 = arith.cmpi slt, %sub3A_230, %lt3A_235 : vector<16xi32>
    %and3A_237 = arith.andi %ge3A_233, %lt3A_236 : vector<16xi1>
    %add3A_238 = arith.constant 48 : i32
    %add3A_239 = vector.broadcast %add3A_238 : i32 to vector<16xi32>
    %add3A_240 = arith.addi %iota3A_178, %add3A_239 : vector<16xi32>
    tpu.vector_store_idx %arg7[%sub3A_230, %add3A_240], %broadcast_in_dim3A_180 masked %and3A_237 : memref<40x128xf32, #tpu.memory_space<vmem>>[vector<16xi32>, vector<16xi32>], vector<16xf32>, vector<16xi1>
    %get3A_241 = arith.index_cast %select_n3A_171 : i32 to index
    %get3A_242 = arith.constant 64 : index
    %get3A_243 = tpu.vector_load %arg5[%get3A_241, %get3A_242] {strides = array<i32>} : memref<20x128xi32, #tpu.memory_space<vmem>>, vector<16xi32>,
    %sub3A_244 = vector.broadcast %mul3A_177 : i32 to vector<16xi32>
    %sub3A_245 = arith.subi %get3A_243, %sub3A_244 : vector<16xi32>
    %ge3A_246 = arith.constant 0 : i32
    %ge3A_247 = vector.broadcast %ge3A_246 : i32 to vector<16xi32>
    %ge3A_248 = arith.cmpi sge, %sub3A_245, %ge3A_247 : vector<16xi32>
    %lt3A_249 = arith.constant 40 : i32
    %lt3A_250 = vector.broadcast %lt3A_249 : i32 to vector<16xi32>
    %lt3A_251 = arith.cmpi slt, %sub3A_245, %lt3A_250 : vector<16xi32>
    %and3A_252 = arith.andi %ge3A_248, %lt3A_251 : vector<16xi1>
    %add3A_253 = arith.constant 64 : i32
    %add3A_254 = vector.broadcast %add3A_253 : i32 to vector<16xi32>
    %add3A_255 = arith.addi %iota3A_178, %add3A_254 : vector<16xi32>
    tpu.vector_store_idx %arg7[%sub3A_245, %add3A_255], %broadcast_in_dim3A_180 masked %and3A_252 : memref<40x128xf32, #tpu.memory_space<vmem>>[vector<16xi32>, vector<16xi32>], vector<16xf32>, vector<16xi1>
    %get3A_256 = arith.index_cast %select_n3A_171 : i32 to index
    %get3A_257 = arith.constant 80 : index
    %get3A_258 = tpu.vector_load %arg5[%get3A_256, %get3A_257] {strides = array<i32>} : memref<20x128xi32, #tpu.memory_space<vmem>>, vector<16xi32>,
    %sub3A_259 = vector.broadcast %mul3A_177 : i32 to vector<16xi32>
    %sub3A_260 = arith.subi %get3A_258, %sub3A_259 : vector<16xi32>
    %ge3A_261 = arith.constant 0 : i32
    %ge3A_262 = vector.broadcast %ge3A_261 : i32 to vector<16xi32>
    %ge3A_263 = arith.cmpi sge, %sub3A_260, %ge3A_262 : vector<16xi32>
    %lt3A_264 = arith.constant 40 : i32
    %lt3A_265 = vector.broadcast %lt3A_264 : i32 to vector<16xi32>
    %lt3A_266 = arith.cmpi slt, %sub3A_260, %lt3A_265 : vector<16xi32>
    %and3A_267 = arith.andi %ge3A_263, %lt3A_266 : vector<16xi1>
    %add3A_268 = arith.constant 80 : i32
    %add3A_269 = vector.broadcast %add3A_268 : i32 to vector<16xi32>
    %add3A_270 = arith.addi %iota3A_178, %add3A_269 : vector<16xi32>
    tpu.vector_store_idx %arg7[%sub3A_260, %add3A_270], %broadcast_in_dim3A_180 masked %and3A_267 : memref<40x128xf32, #tpu.memory_space<vmem>>[vector<16xi32>, vector<16xi32>], vector<16xf32>, vector<16xi1>
    %get3A_271 = arith.index_cast %select_n3A_171 : i32 to index
    %get3A_272 = arith.constant 96 : index
    %get3A_273 = tpu.vector_load %arg5[%get3A_271, %get3A_272] {strides = array<i32>} : memref<20x128xi32, #tpu.memory_space<vmem>>, vector<16xi32>,
    %sub3A_274 = vector.broadcast %mul3A_177 : i32 to vector<16xi32>
    %sub3A_275 = arith.subi %get3A_273, %sub3A_274 : vector<16xi32>
    %ge3A_276 = arith.constant 0 : i32
    %ge3A_277 = vector.broadcast %ge3A_276 : i32 to vector<16xi32>
    %ge3A_278 = arith.cmpi sge, %sub3A_275, %ge3A_277 : vector<16xi32>
    %lt3A_279 = arith.constant 40 : i32
    %lt3A_280 = vector.broadcast %lt3A_279 : i32 to vector<16xi32>
    %lt3A_281 = arith.cmpi slt, %sub3A_275, %lt3A_280 : vector<16xi32>
    %and3A_282 = arith.andi %ge3A_278, %lt3A_281 : vector<16xi1>
    %add3A_283 = arith.constant 96 : i32
    %add3A_284 = vector.broadcast %add3A_283 : i32 to vector<16xi32>
    %add3A_285 = arith.addi %iota3A_178, %add3A_284 : vector<16xi32>
    tpu.vector_store_idx %arg7[%sub3A_275, %add3A_285], %broadcast_in_dim3A_180 masked %and3A_282 : memref<40x128xf32, #tpu.memory_space<vmem>>[vector<16xi32>, vector<16xi32>], vector<16xf32>, vector<16xi1>
    %get3A_286 = arith.index_cast %select_n3A_171 : i32 to index
    %get3A_287 = arith.constant 112 : index
    %get3A_288 = tpu.vector_load %arg5[%get3A_286, %get3A_287] {strides = array<i32>} : memref<20x128xi32, #tpu.memory_space<vmem>>, vector<16xi32>,
    %sub3A_289 = vector.broadcast %mul3A_177 : i32 to vector<16xi32>
    %sub3A_290 = arith.subi %get3A_288, %sub3A_289 : vector<16xi32>
    %ge3A_291 = arith.constant 0 : i32
    %ge3A_292 = vector.broadcast %ge3A_291 : i32 to vector<16xi32>
    %ge3A_293 = arith.cmpi sge, %sub3A_290, %ge3A_292 : vector<16xi32>
    %lt3A_294 = arith.constant 40 : i32
    %lt3A_295 = vector.broadcast %lt3A_294 : i32 to vector<16xi32>
    %lt3A_296 = arith.cmpi slt, %sub3A_290, %lt3A_295 : vector<16xi32>
    %and3A_297 = arith.andi %ge3A_293, %lt3A_296 : vector<16xi1>
    %add3A_298 = arith.constant 112 : i32
    %add3A_299 = vector.broadcast %add3A_298 : i32 to vector<16xi32>
    %add3A_300 = arith.addi %iota3A_178, %add3A_299 : vector<16xi32>
    tpu.vector_store_idx %arg7[%sub3A_290, %add3A_300], %broadcast_in_dim3A_180 masked %and3A_297 : memref<40x128xf32, #tpu.memory_space<vmem>>[vector<16xi32>, vector<16xi32>], vector<16xf32>, vector<16xi1>
    %dma_start3A_301 = tpu.memref_slice %arg4[%select_n3A_171, %mul3A_177, %mul3A_2] : memref<20x1000x4096xf32, #tpu.memory_space<hbm>> -> memref<1x40x128xf32, #tpu.memory_space<hbm>>
    %dma_start3A_302 = tpu.memref_squeeze %dma_start3A_301 : memref<1x40x128xf32, #tpu.memory_space<hbm>> -> memref<40x128xf32, #tpu.memory_space<hbm>>
    %dma_start3A_303 = tpu.memref_slice %arg4[%select_n3A_171, %mul3A_177, %mul3A_2] : memref<20x1000x4096xf32, #tpu.memory_space<hbm>> -> memref<1x40x128xf32, #tpu.memory_space<hbm>>
    %dma_start3A_304 = tpu.memref_squeeze %dma_start3A_303 : memref<1x40x128xf32, #tpu.memory_space<hbm>> -> memref<40x128xf32, #tpu.memory_space<hbm>>
    tpu.enqueue_dma source(%arg7 : memref<40x128xf32, #tpu.memory_space<vmem>>) target(%dma_start3A_304 : memref<40x128xf32, #tpu.memory_space<hbm>>) target_semaphore(%arg9 : memref<!tpu.dma_semaphore, #tpu.memory_space<semaphore_mem>>)
    %scan3A = arith.constant 0 : i32
    %scan3A_305 = arith.constant 1 : i32
    %scan3A_306 = arith.constant 249 : i32
    %scan3A_307 = arith.addi %scan3A_305, %scan3A_306 : i32
    %scan3A_308 = arith.constant 1 : i32
    %scan3A_309 = scf.for %scan3A_380 = %scan3A_305 to %scan3A_307 step %scan3A_308 iter_args(%scan3A_381 = %scan3A) -> (i32)  : i32 {
      %mul3A_382 = arith.constant 2 : i32
      %mul3A_383 = arith.muli %mul3A_382, %scan3A_380 : i32
      %add3A_384 = arith.constant 0 : i32
      %add3A_385 = arith.addi %mul3A_383, %add3A_384 : i32
      %sub3A_386 = arith.constant 2 : i32
      %sub3A_387 = arith.subi %add3A_385, %sub3A_386 : i32
      %jit3A_388 = arith.constant 25 : i32
      %div3A_389 = arith.divsi %sub3A_387, %jit3A_388 : i32
      %sign3A_390 = arith.constant 0 : i32
      %sign3A_391 = arith.cmpi sgt, %sub3A_387, %sign3A_390 : i32
      %sign3A_392 = arith.extui %sign3A_391 : i1 to i32
      %sign3A_393 = arith.constant 0 : i32
      %sign3A_394 = arith.cmpi slt, %sub3A_387, %sign3A_393 : i32
      %sign3A_395 = arith.extui %sign3A_394 : i1 to i32
      %sign3A_396 = arith.subi %sign3A_392, %sign3A_395 : i32
      %sign3A_397 = arith.constant 0 : i32
      %sign3A_398 = arith.cmpi sgt, %jit3A_388, %sign3A_397 : i32
      %sign3A_399 = arith.extui %sign3A_398 : i1 to i32
      %sign3A_400 = arith.constant 0 : i32
      %sign3A_401 = arith.cmpi slt, %jit3A_388, %sign3A_400 : i32
      %sign3A_402 = arith.extui %sign3A_401 : i1 to i32
      %sign3A_403 = arith.subi %sign3A_399, %sign3A_402 : i32
      %ne3A_404 = arith.cmpi ne, %sign3A_396, %sign3A_403 : i32
      %rem3A_405 = arith.remsi %sub3A_387, %jit3A_388 : i32
      %ne3A_406 = arith.constant 0 : i32
      %ne3A_407 = arith.cmpi ne, %rem3A_405, %ne3A_406 : i32
      %and3A_408 = arith.andi %ne3A_404, %ne3A_407 : i1
      %sub3A_409 = arith.constant 1 : i32
      %sub3A_410 = arith.subi %div3A_389, %sub3A_409 : i32
      %select_n3A_411 = arith.select %and3A_408, %sub3A_410, %div3A_389 : i32
      %mul3A_412 = arith.constant 25 : i32
      %mul3A_413 = arith.muli %select_n3A_411, %mul3A_412 : i32
      %sub3A_414 = arith.subi %sub3A_387, %mul3A_413 : i32
      %mul3A_415 = arith.constant 40 : i32
      %mul3A_416 = arith.muli %sub3A_414, %mul3A_415 : i32
      %dma_wait3A_417 = tpu.memref_slice %arg4[%select_n3A_411, %mul3A_416, %mul3A_2] : memref<20x1000x4096xf32, #tpu.memory_space<hbm>> -> memref<1x40x128xf32, #tpu.memory_space<hbm>>
      %dma_wait3A_418 = tpu.memref_squeeze %dma_wait3A_417 : memref<1x40x128xf32, #tpu.memory_space<hbm>> -> memref<40x128xf32, #tpu.memory_space<hbm>>
      %dma_wait3A_419 = tpu.memref_slice %arg4[%select_n3A_411, %mul3A_416, %mul3A_2] : memref<20x1000x4096xf32, #tpu.memory_space<hbm>> -> memref<1x40x128xf32, #tpu.memory_space<hbm>>
      %dma_wait3A_420 = tpu.memref_squeeze %dma_wait3A_419 : memref<1x40x128xf32, #tpu.memory_space<hbm>> -> memref<40x128xf32, #tpu.memory_space<hbm>>
      tpu.wait_dma2 semaphore(%arg8 : memref<!tpu.dma_semaphore, #tpu.memory_space<semaphore_mem>>) src(%arg6 : memref<40x128xf32, #tpu.memory_space<vmem>>) dst(%dma_wait3A_420 : memref<40x128xf32, #tpu.memory_space<hbm>>)
      %iota3A_421 = tpu.iota {dimensions = array<i32: 0>} : vector<16xi32>
      %broadcast_in_dim3A_422 = arith.constant 0.000000e+00 : f32
      %broadcast_in_dim3A_423 = vector.broadcast %broadcast_in_dim3A_422 : f32 to vector<16xf32>
      %get3A_424 = arith.index_cast %select_n3A_411 : i32 to index
      %get3A_425 = arith.constant 0 : index
      %get3A_426 = tpu.vector_load %arg5[%get3A_424, %get3A_425] {strides = array<i32>} : memref<20x128xi32, #tpu.memory_space<vmem>>, vector<16xi32>,
      %sub3A_427 = vector.broadcast %mul3A_416 : i32 to vector<16xi32>
      %sub3A_428 = arith.subi %get3A_426, %sub3A_427 : vector<16xi32>
      %ge3A_429 = arith.constant 0 : i32
      %ge3A_430 = vector.broadcast %ge3A_429 : i32 to vector<16xi32>
      %ge3A_431 = arith.cmpi sge, %sub3A_428, %ge3A_430 : vector<16xi32>
      %lt3A_432 = arith.constant 40 : i32
      %lt3A_433 = vector.broadcast %lt3A_432 : i32 to vector<16xi32>
      %lt3A_434 = arith.cmpi slt, %sub3A_428, %lt3A_433 : vector<16xi32>
      %and3A_435 = arith.andi %ge3A_431, %lt3A_434 : vector<16xi1>
      %add3A_436 = arith.constant 0 : i32
      %add3A_437 = vector.broadcast %add3A_436 : i32 to vector<16xi32>
      %add3A_438 = arith.addi %iota3A_421, %add3A_437 : vector<16xi32>
      tpu.vector_store_idx %arg6[%sub3A_428, %add3A_438], %broadcast_in_dim3A_423 masked %and3A_435 : memref<40x128xf32, #tpu.memory_space<vmem>>[vector<16xi32>, vector<16xi32>], vector<16xf32>, vector<16xi1>
      %get3A_439 = arith.index_cast %select_n3A_411 : i32 to index
      %get3A_440 = arith.constant 16 : index
      %get3A_441 = tpu.vector_load %arg5[%get3A_439, %get3A_440] {strides = array<i32>} : memref<20x128xi32, #tpu.memory_space<vmem>>, vector<16xi32>,
      %sub3A_442 = vector.broadcast %mul3A_416 : i32 to vector<16xi32>
      %sub3A_443 = arith.subi %get3A_441, %sub3A_442 : vector<16xi32>
      %ge3A_444 = arith.constant 0 : i32
      %ge3A_445 = vector.broadcast %ge3A_444 : i32 to vector<16xi32>
      %ge3A_446 = arith.cmpi sge, %sub3A_443, %ge3A_445 : vector<16xi32>
      %lt3A_447 = arith.constant 40 : i32
      %lt3A_448 = vector.broadcast %lt3A_447 : i32 to vector<16xi32>
      %lt3A_449 = arith.cmpi slt, %sub3A_443, %lt3A_448 : vector<16xi32>
      %and3A_450 = arith.andi %ge3A_446, %lt3A_449 : vector<16xi1>
      %add3A_451 = arith.constant 16 : i32
      %add3A_452 = vector.broadcast %add3A_451 : i32 to vector<16xi32>
      %add3A_453 = arith.addi %iota3A_421, %add3A_452 : vector<16xi32>
      tpu.vector_store_idx %arg6[%sub3A_443, %add3A_453], %broadcast_in_dim3A_423 masked %and3A_450 : memref<40x128xf32, #tpu.memory_space<vmem>>[vector<16xi32>, vector<16xi32>], vector<16xf32>, vector<16xi1>
      %get3A_454 = arith.index_cast %select_n3A_411 : i32 to index
      %get3A_455 = arith.constant 32 : index
      %get3A_456 = tpu.vector_load %arg5[%get3A_454, %get3A_455] {strides = array<i32>} : memref<20x128xi32, #tpu.memory_space<vmem>>, vector<16xi32>,
      %sub3A_457 = vector.broadcast %mul3A_416 : i32 to vector<16xi32>
      %sub3A_458 = arith.subi %get3A_456, %sub3A_457 : vector<16xi32>
      %ge3A_459 = arith.constant 0 : i32
      %ge3A_460 = vector.broadcast %ge3A_459 : i32 to vector<16xi32>
      %ge3A_461 = arith.cmpi sge, %sub3A_458, %ge3A_460 : vector<16xi32>
      %lt3A_462 = arith.constant 40 : i32
      %lt3A_463 = vector.broadcast %lt3A_462 : i32 to vector<16xi32>
      %lt3A_464 = arith.cmpi slt, %sub3A_458, %lt3A_463 : vector<16xi32>
      %and3A_465 = arith.andi %ge3A_461, %lt3A_464 : vector<16xi1>
      %add3A_466 = arith.constant 32 : i32
      %add3A_467 = vector.broadcast %add3A_466 : i32 to vector<16xi32>
      %add3A_468 = arith.addi %iota3A_421, %add3A_467 : vector<16xi32>
      tpu.vector_store_idx %arg6[%sub3A_458, %add3A_468], %broadcast_in_dim3A_423 masked %and3A_465 : memref<40x128xf32, #tpu.memory_space<vmem>>[vector<16xi32>, vector<16xi32>], vector<16xf32>, vector<16xi1>
      %get3A_469 = arith.index_cast %select_n3A_411 : i32 to index
      %get3A_470 = arith.constant 48 : index
      %get3A_471 = tpu.vector_load %arg5[%get3A_469, %get3A_470] {strides = array<i32>} : memref<20x128xi32, #tpu.memory_space<vmem>>, vector<16xi32>,
      %sub3A_472 = vector.broadcast %mul3A_416 : i32 to vector<16xi32>
      %sub3A_473 = arith.subi %get3A_471, %sub3A_472 : vector<16xi32>
      %ge3A_474 = arith.constant 0 : i32
      %ge3A_475 = vector.broadcast %ge3A_474 : i32 to vector<16xi32>
      %ge3A_476 = arith.cmpi sge, %sub3A_473, %ge3A_475 : vector<16xi32>
      %lt3A_477 = arith.constant 40 : i32
      %lt3A_478 = vector.broadcast %lt3A_477 : i32 to vector<16xi32>
      %lt3A_479 = arith.cmpi slt, %sub3A_473, %lt3A_478 : vector<16xi32>
      %and3A_480 = arith.andi %ge3A_476, %lt3A_479 : vector<16xi1>
      %add3A_481 = arith.constant 48 : i32
      %add3A_482 = vector.broadcast %add3A_481 : i32 to vector<16xi32>
      %add3A_483 = arith.addi %iota3A_421, %add3A_482 : vector<16xi32>
      tpu.vector_store_idx %arg6[%sub3A_473, %add3A_483], %broadcast_in_dim3A_423 masked %and3A_480 : memref<40x128xf32, #tpu.memory_space<vmem>>[vector<16xi32>, vector<16xi32>], vector<16xf32>, vector<16xi1>
      %get3A_484 = arith.index_cast %select_n3A_411 : i32 to index
      %get3A_485 = arith.constant 64 : index
      %get3A_486 = tpu.vector_load %arg5[%get3A_484, %get3A_485] {strides = array<i32>} : memref<20x128xi32, #tpu.memory_space<vmem>>, vector<16xi32>,
      %sub3A_487 = vector.broadcast %mul3A_416 : i32 to vector<16xi32>
      %sub3A_488 = arith.subi %get3A_486, %sub3A_487 : vector<16xi32>
      %ge3A_489 = arith.constant 0 : i32
      %ge3A_490 = vector.broadcast %ge3A_489 : i32 to vector<16xi32>
      %ge3A_491 = arith.cmpi sge, %sub3A_488, %ge3A_490 : vector<16xi32>
      %lt3A_492 = arith.constant 40 : i32
      %lt3A_493 = vector.broadcast %lt3A_492 : i32 to vector<16xi32>
      %lt3A_494 = arith.cmpi slt, %sub3A_488, %lt3A_493 : vector<16xi32>
      %and3A_495 = arith.andi %ge3A_491, %lt3A_494 : vector<16xi1>
      %add3A_496 = arith.constant 64 : i32
      %add3A_497 = vector.broadcast %add3A_496 : i32 to vector<16xi32>
      %add3A_498 = arith.addi %iota3A_421, %add3A_497 : vector<16xi32>
      tpu.vector_store_idx %arg6[%sub3A_488, %add3A_498], %broadcast_in_dim3A_423 masked %and3A_495 : memref<40x128xf32, #tpu.memory_space<vmem>>[vector<16xi32>, vector<16xi32>], vector<16xf32>, vector<16xi1>
      %get3A_499 = arith.index_cast %select_n3A_411 : i32 to index
      %get3A_500 = arith.constant 80 : index
      %get3A_501 = tpu.vector_load %arg5[%get3A_499, %get3A_500] {strides = array<i32>} : memref<20x128xi32, #tpu.memory_space<vmem>>, vector<16xi32>,
      %sub3A_502 = vector.broadcast %mul3A_416 : i32 to vector<16xi32>
      %sub3A_503 = arith.subi %get3A_501, %sub3A_502 : vector<16xi32>
      %ge3A_504 = arith.constant 0 : i32
      %ge3A_505 = vector.broadcast %ge3A_504 : i32 to vector<16xi32>
      %ge3A_506 = arith.cmpi sge, %sub3A_503, %ge3A_505 : vector<16xi32>
      %lt3A_507 = arith.constant 40 : i32
      %lt3A_508 = vector.broadcast %lt3A_507 : i32 to vector<16xi32>
      %lt3A_509 = arith.cmpi slt, %sub3A_503, %lt3A_508 : vector<16xi32>
      %and3A_510 = arith.andi %ge3A_506, %lt3A_509 : vector<16xi1>
      %add3A_511 = arith.constant 80 : i32
      %add3A_512 = vector.broadcast %add3A_511 : i32 to vector<16xi32>
      %add3A_513 = arith.addi %iota3A_421, %add3A_512 : vector<16xi32>
      tpu.vector_store_idx %arg6[%sub3A_503, %add3A_513], %broadcast_in_dim3A_423 masked %and3A_510 : memref<40x128xf32, #tpu.memory_space<vmem>>[vector<16xi32>, vector<16xi32>], vector<16xf32>, vector<16xi1>
      %get3A_514 = arith.index_cast %select_n3A_411 : i32 to index
      %get3A_515 = arith.constant 96 : index
      %get3A_516 = tpu.vector_load %arg5[%get3A_514, %get3A_515] {strides = array<i32>} : memref<20x128xi32, #tpu.memory_space<vmem>>, vector<16xi32>,
      %sub3A_517 = vector.broadcast %mul3A_416 : i32 to vector<16xi32>
      %sub3A_518 = arith.subi %get3A_516, %sub3A_517 : vector<16xi32>
      %ge3A_519 = arith.constant 0 : i32
      %ge3A_520 = vector.broadcast %ge3A_519 : i32 to vector<16xi32>
      %ge3A_521 = arith.cmpi sge, %sub3A_518, %ge3A_520 : vector<16xi32>
      %lt3A_522 = arith.constant 40 : i32
      %lt3A_523 = vector.broadcast %lt3A_522 : i32 to vector<16xi32>
      %lt3A_524 = arith.cmpi slt, %sub3A_518, %lt3A_523 : vector<16xi32>
      %and3A_525 = arith.andi %ge3A_521, %lt3A_524 : vector<16xi1>
      %add3A_526 = arith.constant 96 : i32
      %add3A_527 = vector.broadcast %add3A_526 : i32 to vector<16xi32>
      %add3A_528 = arith.addi %iota3A_421, %add3A_527 : vector<16xi32>
      tpu.vector_store_idx %arg6[%sub3A_518, %add3A_528], %broadcast_in_dim3A_423 masked %and3A_525 : memref<40x128xf32, #tpu.memory_space<vmem>>[vector<16xi32>, vector<16xi32>], vector<16xf32>, vector<16xi1>
      %get3A_529 = arith.index_cast %select_n3A_411 : i32 to index
      %get3A_530 = arith.constant 112 : index
      %get3A_531 = tpu.vector_load %arg5[%get3A_529, %get3A_530] {strides = array<i32>} : memref<20x128xi32, #tpu.memory_space<vmem>>, vector<16xi32>,
      %sub3A_532 = vector.broadcast %mul3A_416 : i32 to vector<16xi32>
      %sub3A_533 = arith.subi %get3A_531, %sub3A_532 : vector<16xi32>
      %ge3A_534 = arith.constant 0 : i32
      %ge3A_535 = vector.broadcast %ge3A_534 : i32 to vector<16xi32>
      %ge3A_536 = arith.cmpi sge, %sub3A_533, %ge3A_535 : vector<16xi32>
      %lt3A_537 = arith.constant 40 : i32
      %lt3A_538 = vector.broadcast %lt3A_537 : i32 to vector<16xi32>
      %lt3A_539 = arith.cmpi slt, %sub3A_533, %lt3A_538 : vector<16xi32>
      %and3A_540 = arith.andi %ge3A_536, %lt3A_539 : vector<16xi1>
      %add3A_541 = arith.constant 112 : i32
      %add3A_542 = vector.broadcast %add3A_541 : i32 to vector<16xi32>
      %add3A_543 = arith.addi %iota3A_421, %add3A_542 : vector<16xi32>
      tpu.vector_store_idx %arg6[%sub3A_533, %add3A_543], %broadcast_in_dim3A_423 masked %and3A_540 : memref<40x128xf32, #tpu.memory_space<vmem>>[vector<16xi32>, vector<16xi32>], vector<16xf32>, vector<16xi1>
      %jit3A_544 = arith.constant 25 : i32
      %div3A_545 = arith.divsi %add3A_385, %jit3A_544 : i32
      %sign3A_546 = arith.constant 0 : i32
      %sign3A_547 = arith.cmpi sgt, %add3A_385, %sign3A_546 : i32
      %sign3A_548 = arith.extui %sign3A_547 : i1 to i32
      %sign3A_549 = arith.constant 0 : i32
      %sign3A_550 = arith.cmpi slt, %add3A_385, %sign3A_549 : i32
      %sign3A_551 = arith.extui %sign3A_550 : i1 to i32
      %sign3A_552 = arith.subi %sign3A_548, %sign3A_551 : i32
      %sign3A_553 = arith.constant 0 : i32
      %sign3A_554 = arith.cmpi sgt, %jit3A_544, %sign3A_553 : i32
      %sign3A_555 = arith.extui %sign3A_554 : i1 to i32
      %sign3A_556 = arith.constant 0 : i32
      %sign3A_557 = arith.cmpi slt, %jit3A_544, %sign3A_556 : i32
      %sign3A_558 = arith.extui %sign3A_557 : i1 to i32
      %sign3A_559 = arith.subi %sign3A_555, %sign3A_558 : i32
      %ne3A_560 = arith.cmpi ne, %sign3A_552, %sign3A_559 : i32
      %rem3A_561 = arith.remsi %add3A_385, %jit3A_544 : i32
      %ne3A_562 = arith.constant 0 : i32
      %ne3A_563 = arith.cmpi ne, %rem3A_561, %ne3A_562 : i32
      %and3A_564 = arith.andi %ne3A_560, %ne3A_563 : i1
      %sub3A_565 = arith.constant 1 : i32
      %sub3A_566 = arith.subi %div3A_545, %sub3A_565 : i32
      %select_n3A_567 = arith.select %and3A_564, %sub3A_566, %div3A_545 : i32
      %mul3A_568 = arith.constant 25 : i32
      %mul3A_569 = arith.muli %select_n3A_567, %mul3A_568 : i32
      %sub3A_570 = arith.subi %add3A_385, %mul3A_569 : i32
      %mul3A_571 = arith.constant 40 : i32
      %mul3A_572 = arith.muli %sub3A_570, %mul3A_571 : i32
      %iota3A_573 = tpu.iota {dimensions = array<i32: 0>} : vector<16xi32>
      %broadcast_in_dim3A_574 = arith.constant 1.000000e+00 : f32
      %broadcast_in_dim3A_575 = vector.broadcast %broadcast_in_dim3A_574 : f32 to vector<16xf32>
      %get3A_576 = arith.index_cast %select_n3A_567 : i32 to index
      %get3A_577 = arith.constant 0 : index
      %get3A_578 = tpu.vector_load %arg5[%get3A_576, %get3A_577] {strides = array<i32>} : memref<20x128xi32, #tpu.memory_space<vmem>>, vector<16xi32>,
      %sub3A_579 = vector.broadcast %mul3A_572 : i32 to vector<16xi32>
      %sub3A_580 = arith.subi %get3A_578, %sub3A_579 : vector<16xi32>
      %ge3A_581 = arith.constant 0 : i32
      %ge3A_582 = vector.broadcast %ge3A_581 : i32 to vector<16xi32>
      %ge3A_583 = arith.cmpi sge, %sub3A_580, %ge3A_582 : vector<16xi32>
      %lt3A_584 = arith.constant 40 : i32
      %lt3A_585 = vector.broadcast %lt3A_584 : i32 to vector<16xi32>
      %lt3A_586 = arith.cmpi slt, %sub3A_580, %lt3A_585 : vector<16xi32>
      %and3A_587 = arith.andi %ge3A_583, %lt3A_586 : vector<16xi1>
      %add3A_588 = arith.constant 0 : i32
      %add3A_589 = vector.broadcast %add3A_588 : i32 to vector<16xi32>
      %add3A_590 = arith.addi %iota3A_573, %add3A_589 : vector<16xi32>
      tpu.vector_store_idx %arg6[%sub3A_580, %add3A_590], %broadcast_in_dim3A_575 masked %and3A_587 : memref<40x128xf32, #tpu.memory_space<vmem>>[vector<16xi32>, vector<16xi32>], vector<16xf32>, vector<16xi1>
      %get3A_591 = arith.index_cast %select_n3A_567 : i32 to index
      %get3A_592 = arith.constant 16 : index
      %get3A_593 = tpu.vector_load %arg5[%get3A_591, %get3A_592] {strides = array<i32>} : memref<20x128xi32, #tpu.memory_space<vmem>>, vector<16xi32>,
      %sub3A_594 = vector.broadcast %mul3A_572 : i32 to vector<16xi32>
      %sub3A_595 = arith.subi %get3A_593, %sub3A_594 : vector<16xi32>
      %ge3A_596 = arith.constant 0 : i32
      %ge3A_597 = vector.broadcast %ge3A_596 : i32 to vector<16xi32>
      %ge3A_598 = arith.cmpi sge, %sub3A_595, %ge3A_597 : vector<16xi32>
      %lt3A_599 = arith.constant 40 : i32
      %lt3A_600 = vector.broadcast %lt3A_599 : i32 to vector<16xi32>
      %lt3A_601 = arith.cmpi slt, %sub3A_595, %lt3A_600 : vector<16xi32>
      %and3A_602 = arith.andi %ge3A_598, %lt3A_601 : vector<16xi1>
      %add3A_603 = arith.constant 16 : i32
      %add3A_604 = vector.broadcast %add3A_603 : i32 to vector<16xi32>
      %add3A_605 = arith.addi %iota3A_573, %add3A_604 : vector<16xi32>
      tpu.vector_store_idx %arg6[%sub3A_595, %add3A_605], %broadcast_in_dim3A_575 masked %and3A_602 : memref<40x128xf32, #tpu.memory_space<vmem>>[vector<16xi32>, vector<16xi32>], vector<16xf32>, vector<16xi1>
      %get3A_606 = arith.index_cast %select_n3A_567 : i32 to index
      %get3A_607 = arith.constant 32 : index
      %get3A_608 = tpu.vector_load %arg5[%get3A_606, %get3A_607] {strides = array<i32>} : memref<20x128xi32, #tpu.memory_space<vmem>>, vector<16xi32>,
      %sub3A_609 = vector.broadcast %mul3A_572 : i32 to vector<16xi32>
      %sub3A_610 = arith.subi %get3A_608, %sub3A_609 : vector<16xi32>
      %ge3A_611 = arith.constant 0 : i32
      %ge3A_612 = vector.broadcast %ge3A_611 : i32 to vector<16xi32>
      %ge3A_613 = arith.cmpi sge, %sub3A_610, %ge3A_612 : vector<16xi32>
      %lt3A_614 = arith.constant 40 : i32
      %lt3A_615 = vector.broadcast %lt3A_614 : i32 to vector<16xi32>
      %lt3A_616 = arith.cmpi slt, %sub3A_610, %lt3A_615 : vector<16xi32>
      %and3A_617 = arith.andi %ge3A_613, %lt3A_616 : vector<16xi1>
      %add3A_618 = arith.constant 32 : i32
      %add3A_619 = vector.broadcast %add3A_618 : i32 to vector<16xi32>
      %add3A_620 = arith.addi %iota3A_573, %add3A_619 : vector<16xi32>
      tpu.vector_store_idx %arg6[%sub3A_610, %add3A_620], %broadcast_in_dim3A_575 masked %and3A_617 : memref<40x128xf32, #tpu.memory_space<vmem>>[vector<16xi32>, vector<16xi32>], vector<16xf32>, vector<16xi1>
      %get3A_621 = arith.index_cast %select_n3A_567 : i32 to index
      %get3A_622 = arith.constant 48 : index
      %get3A_623 = tpu.vector_load %arg5[%get3A_621, %get3A_622] {strides = array<i32>} : memref<20x128xi32, #tpu.memory_space<vmem>>, vector<16xi32>,
      %sub3A_624 = vector.broadcast %mul3A_572 : i32 to vector<16xi32>
      %sub3A_625 = arith.subi %get3A_623, %sub3A_624 : vector<16xi32>
      %ge3A_626 = arith.constant 0 : i32
      %ge3A_627 = vector.broadcast %ge3A_626 : i32 to vector<16xi32>
      %ge3A_628 = arith.cmpi sge, %sub3A_625, %ge3A_627 : vector<16xi32>
      %lt3A_629 = arith.constant 40 : i32
      %lt3A_630 = vector.broadcast %lt3A_629 : i32 to vector<16xi32>
      %lt3A_631 = arith.cmpi slt, %sub3A_625, %lt3A_630 : vector<16xi32>
      %and3A_632 = arith.andi %ge3A_628, %lt3A_631 : vector<16xi1>
      %add3A_633 = arith.constant 48 : i32
      %add3A_634 = vector.broadcast %add3A_633 : i32 to vector<16xi32>
      %add3A_635 = arith.addi %iota3A_573, %add3A_634 : vector<16xi32>
      tpu.vector_store_idx %arg6[%sub3A_625, %add3A_635], %broadcast_in_dim3A_575 masked %and3A_632 : memref<40x128xf32, #tpu.memory_space<vmem>>[vector<16xi32>, vector<16xi32>], vector<16xf32>, vector<16xi1>
      %get3A_636 = arith.index_cast %select_n3A_567 : i32 to index
      %get3A_637 = arith.constant 64 : index
      %get3A_638 = tpu.vector_load %arg5[%get3A_636, %get3A_637] {strides = array<i32>} : memref<20x128xi32, #tpu.memory_space<vmem>>, vector<16xi32>,
      %sub3A_639 = vector.broadcast %mul3A_572 : i32 to vector<16xi32>
      %sub3A_640 = arith.subi %get3A_638, %sub3A_639 : vector<16xi32>
      %ge3A_641 = arith.constant 0 : i32
      %ge3A_642 = vector.broadcast %ge3A_641 : i32 to vector<16xi32>
      %ge3A_643 = arith.cmpi sge, %sub3A_640, %ge3A_642 : vector<16xi32>
      %lt3A_644 = arith.constant 40 : i32
      %lt3A_645 = vector.broadcast %lt3A_644 : i32 to vector<16xi32>
      %lt3A_646 = arith.cmpi slt, %sub3A_640, %lt3A_645 : vector<16xi32>
      %and3A_647 = arith.andi %ge3A_643, %lt3A_646 : vector<16xi1>
      %add3A_648 = arith.constant 64 : i32
      %add3A_649 = vector.broadcast %add3A_648 : i32 to vector<16xi32>
      %add3A_650 = arith.addi %iota3A_573, %add3A_649 : vector<16xi32>
      tpu.vector_store_idx %arg6[%sub3A_640, %add3A_650], %broadcast_in_dim3A_575 masked %and3A_647 : memref<40x128xf32, #tpu.memory_space<vmem>>[vector<16xi32>, vector<16xi32>], vector<16xf32>, vector<16xi1>
      %get3A_651 = arith.index_cast %select_n3A_567 : i32 to index
      %get3A_652 = arith.constant 80 : index
      %get3A_653 = tpu.vector_load %arg5[%get3A_651, %get3A_652] {strides = array<i32>} : memref<20x128xi32, #tpu.memory_space<vmem>>, vector<16xi32>,
      %sub3A_654 = vector.broadcast %mul3A_572 : i32 to vector<16xi32>
      %sub3A_655 = arith.subi %get3A_653, %sub3A_654 : vector<16xi32>
      %ge3A_656 = arith.constant 0 : i32
      %ge3A_657 = vector.broadcast %ge3A_656 : i32 to vector<16xi32>
      %ge3A_658 = arith.cmpi sge, %sub3A_655, %ge3A_657 : vector<16xi32>
      %lt3A_659 = arith.constant 40 : i32
      %lt3A_660 = vector.broadcast %lt3A_659 : i32 to vector<16xi32>
      %lt3A_661 = arith.cmpi slt, %sub3A_655, %lt3A_660 : vector<16xi32>
      %and3A_662 = arith.andi %ge3A_658, %lt3A_661 : vector<16xi1>
      %add3A_663 = arith.constant 80 : i32
      %add3A_664 = vector.broadcast %add3A_663 : i32 to vector<16xi32>
      %add3A_665 = arith.addi %iota3A_573, %add3A_664 : vector<16xi32>
      tpu.vector_store_idx %arg6[%sub3A_655, %add3A_665], %broadcast_in_dim3A_575 masked %and3A_662 : memref<40x128xf32, #tpu.memory_space<vmem>>[vector<16xi32>, vector<16xi32>], vector<16xf32>, vector<16xi1>
      %get3A_666 = arith.index_cast %select_n3A_567 : i32 to index
      %get3A_667 = arith.constant 96 : index
      %get3A_668 = tpu.vector_load %arg5[%get3A_666, %get3A_667] {strides = array<i32>} : memref<20x128xi32, #tpu.memory_space<vmem>>, vector<16xi32>,
      %sub3A_669 = vector.broadcast %mul3A_572 : i32 to vector<16xi32>
      %sub3A_670 = arith.subi %get3A_668, %sub3A_669 : vector<16xi32>
      %ge3A_671 = arith.constant 0 : i32
      %ge3A_672 = vector.broadcast %ge3A_671 : i32 to vector<16xi32>
      %ge3A_673 = arith.cmpi sge, %sub3A_670, %ge3A_672 : vector<16xi32>
      %lt3A_674 = arith.constant 40 : i32
      %lt3A_675 = vector.broadcast %lt3A_674 : i32 to vector<16xi32>
      %lt3A_676 = arith.cmpi slt, %sub3A_670, %lt3A_675 : vector<16xi32>
      %and3A_677 = arith.andi %ge3A_673, %lt3A_676 : vector<16xi1>
      %add3A_678 = arith.constant 96 : i32
      %add3A_679 = vector.broadcast %add3A_678 : i32 to vector<16xi32>
      %add3A_680 = arith.addi %iota3A_573, %add3A_679 : vector<16xi32>
      tpu.vector_store_idx %arg6[%sub3A_670, %add3A_680], %broadcast_in_dim3A_575 masked %and3A_677 : memref<40x128xf32, #tpu.memory_space<vmem>>[vector<16xi32>, vector<16xi32>], vector<16xf32>, vector<16xi1>
      %get3A_681 = arith.index_cast %select_n3A_567 : i32 to index
      %get3A_682 = arith.constant 112 : index
      %get3A_683 = tpu.vector_load %arg5[%get3A_681, %get3A_682] {strides = array<i32>} : memref<20x128xi32, #tpu.memory_space<vmem>>, vector<16xi32>,
      %sub3A_684 = vector.broadcast %mul3A_572 : i32 to vector<16xi32>
      %sub3A_685 = arith.subi %get3A_683, %sub3A_684 : vector<16xi32>
      %ge3A_686 = arith.constant 0 : i32
      %ge3A_687 = vector.broadcast %ge3A_686 : i32 to vector<16xi32>
      %ge3A_688 = arith.cmpi sge, %sub3A_685, %ge3A_687 : vector<16xi32>
      %lt3A_689 = arith.constant 40 : i32
      %lt3A_690 = vector.broadcast %lt3A_689 : i32 to vector<16xi32>
      %lt3A_691 = arith.cmpi slt, %sub3A_685, %lt3A_690 : vector<16xi32>
      %and3A_692 = arith.andi %ge3A_688, %lt3A_691 : vector<16xi1>
      %add3A_693 = arith.constant 112 : i32
      %add3A_694 = vector.broadcast %add3A_693 : i32 to vector<16xi32>
      %add3A_695 = arith.addi %iota3A_573, %add3A_694 : vector<16xi32>
      tpu.vector_store_idx %arg6[%sub3A_685, %add3A_695], %broadcast_in_dim3A_575 masked %and3A_692 : memref<40x128xf32, #tpu.memory_space<vmem>>[vector<16xi32>, vector<16xi32>], vector<16xf32>, vector<16xi1>
      %dma_start3A_696 = tpu.memref_slice %arg4[%select_n3A_567, %mul3A_572, %mul3A_2] : memref<20x1000x4096xf32, #tpu.memory_space<hbm>> -> memref<1x40x128xf32, #tpu.memory_space<hbm>>
      %dma_start3A_697 = tpu.memref_squeeze %dma_start3A_696 : memref<1x40x128xf32, #tpu.memory_space<hbm>> -> memref<40x128xf32, #tpu.memory_space<hbm>>
      %dma_start3A_698 = tpu.memref_slice %arg4[%select_n3A_567, %mul3A_572, %mul3A_2] : memref<20x1000x4096xf32, #tpu.memory_space<hbm>> -> memref<1x40x128xf32, #tpu.memory_space<hbm>>
      %dma_start3A_699 = tpu.memref_squeeze %dma_start3A_698 : memref<1x40x128xf32, #tpu.memory_space<hbm>> -> memref<40x128xf32, #tpu.memory_space<hbm>>
      tpu.enqueue_dma source(%arg6 : memref<40x128xf32, #tpu.memory_space<vmem>>) target(%dma_start3A_699 : memref<40x128xf32, #tpu.memory_space<hbm>>) target_semaphore(%arg8 : memref<!tpu.dma_semaphore, #tpu.memory_space<semaphore_mem>>)
      %mul3A_700 = arith.constant 2 : i32
      %mul3A_701 = arith.muli %mul3A_700, %scan3A_380 : i32
      %add3A_702 = arith.constant 1 : i32
      %add3A_703 = arith.addi %mul3A_701, %add3A_702 : i32
      %sub3A_704 = arith.constant 2 : i32
      %sub3A_705 = arith.subi %add3A_703, %sub3A_704 : i32
      %jit3A_706 = arith.constant 25 : i32
      %div3A_707 = arith.divsi %sub3A_705, %jit3A_706 : i32
      %sign3A_708 = arith.constant 0 : i32
      %sign3A_709 = arith.cmpi sgt, %sub3A_705, %sign3A_708 : i32
      %sign3A_710 = arith.extui %sign3A_709 : i1 to i32
      %sign3A_711 = arith.constant 0 : i32
      %sign3A_712 = arith.cmpi slt, %sub3A_705, %sign3A_711 : i32
      %sign3A_713 = arith.extui %sign3A_712 : i1 to i32
      %sign3A_714 = arith.subi %sign3A_710, %sign3A_713 : i32
      %sign3A_715 = arith.constant 0 : i32
      %sign3A_716 = arith.cmpi sgt, %jit3A_706, %sign3A_715 : i32
      %sign3A_717 = arith.extui %sign3A_716 : i1 to i32
      %sign3A_718 = arith.constant 0 : i32
      %sign3A_719 = arith.cmpi slt, %jit3A_706, %sign3A_718 : i32
      %sign3A_720 = arith.extui %sign3A_719 : i1 to i32
      %sign3A_721 = arith.subi %sign3A_717, %sign3A_720 : i32
      %ne3A_722 = arith.cmpi ne, %sign3A_714, %sign3A_721 : i32
      %rem3A_723 = arith.remsi %sub3A_705, %jit3A_706 : i32
      %ne3A_724 = arith.constant 0 : i32
      %ne3A_725 = arith.cmpi ne, %rem3A_723, %ne3A_724 : i32
      %and3A_726 = arith.andi %ne3A_722, %ne3A_725 : i1
      %sub3A_727 = arith.constant 1 : i32
      %sub3A_728 = arith.subi %div3A_707, %sub3A_727 : i32
      %select_n3A_729 = arith.select %and3A_726, %sub3A_728, %div3A_707 : i32
      %mul3A_730 = arith.constant 25 : i32
      %mul3A_731 = arith.muli %select_n3A_729, %mul3A_730 : i32
      %sub3A_732 = arith.subi %sub3A_705, %mul3A_731 : i32
      %mul3A_733 = arith.constant 40 : i32
      %mul3A_734 = arith.muli %sub3A_732, %mul3A_733 : i32
      %dma_wait3A_735 = tpu.memref_slice %arg4[%select_n3A_729, %mul3A_734, %mul3A_2] : memref<20x1000x4096xf32, #tpu.memory_space<hbm>> -> memref<1x40x128xf32, #tpu.memory_space<hbm>>
      %dma_wait3A_736 = tpu.memref_squeeze %dma_wait3A_735 : memref<1x40x128xf32, #tpu.memory_space<hbm>> -> memref<40x128xf32, #tpu.memory_space<hbm>>
      %dma_wait3A_737 = tpu.memref_slice %arg4[%select_n3A_729, %mul3A_734, %mul3A_2] : memref<20x1000x4096xf32, #tpu.memory_space<hbm>> -> memref<1x40x128xf32, #tpu.memory_space<hbm>>
      %dma_wait3A_738 = tpu.memref_squeeze %dma_wait3A_737 : memref<1x40x128xf32, #tpu.memory_space<hbm>> -> memref<40x128xf32, #tpu.memory_space<hbm>>
      tpu.wait_dma2 semaphore(%arg9 : memref<!tpu.dma_semaphore, #tpu.memory_space<semaphore_mem>>) src(%arg7 : memref<40x128xf32, #tpu.memory_space<vmem>>) dst(%dma_wait3A_738 : memref<40x128xf32, #tpu.memory_space<hbm>>)
      %iota3A_739 = tpu.iota {dimensions = array<i32: 0>} : vector<16xi32>
      %broadcast_in_dim3A_740 = arith.constant 0.000000e+00 : f32
      %broadcast_in_dim3A_741 = vector.broadcast %broadcast_in_dim3A_740 : f32 to vector<16xf32>
      %get3A_742 = arith.index_cast %select_n3A_729 : i32 to index
      %get3A_743 = arith.constant 0 : index
      %get3A_744 = tpu.vector_load %arg5[%get3A_742, %get3A_743] {strides = array<i32>} : memref<20x128xi32, #tpu.memory_space<vmem>>, vector<16xi32>,
      %sub3A_745 = vector.broadcast %mul3A_734 : i32 to vector<16xi32>
      %sub3A_746 = arith.subi %get3A_744, %sub3A_745 : vector<16xi32>
      %ge3A_747 = arith.constant 0 : i32
      %ge3A_748 = vector.broadcast %ge3A_747 : i32 to vector<16xi32>
      %ge3A_749 = arith.cmpi sge, %sub3A_746, %ge3A_748 : vector<16xi32>
      %lt3A_750 = arith.constant 40 : i32
      %lt3A_751 = vector.broadcast %lt3A_750 : i32 to vector<16xi32>
      %lt3A_752 = arith.cmpi slt, %sub3A_746, %lt3A_751 : vector<16xi32>
      %and3A_753 = arith.andi %ge3A_749, %lt3A_752 : vector<16xi1>
      %add3A_754 = arith.constant 0 : i32
      %add3A_755 = vector.broadcast %add3A_754 : i32 to vector<16xi32>
      %add3A_756 = arith.addi %iota3A_739, %add3A_755 : vector<16xi32>
      tpu.vector_store_idx %arg7[%sub3A_746, %add3A_756], %broadcast_in_dim3A_741 masked %and3A_753 : memref<40x128xf32, #tpu.memory_space<vmem>>[vector<16xi32>, vector<16xi32>], vector<16xf32>, vector<16xi1>
      %get3A_757 = arith.index_cast %select_n3A_729 : i32 to index
      %get3A_758 = arith.constant 16 : index
      %get3A_759 = tpu.vector_load %arg5[%get3A_757, %get3A_758] {strides = array<i32>} : memref<20x128xi32, #tpu.memory_space<vmem>>, vector<16xi32>,
      %sub3A_760 = vector.broadcast %mul3A_734 : i32 to vector<16xi32>
      %sub3A_761 = arith.subi %get3A_759, %sub3A_760 : vector<16xi32>
      %ge3A_762 = arith.constant 0 : i32
      %ge3A_763 = vector.broadcast %ge3A_762 : i32 to vector<16xi32>
      %ge3A_764 = arith.cmpi sge, %sub3A_761, %ge3A_763 : vector<16xi32>
      %lt3A_765 = arith.constant 40 : i32
      %lt3A_766 = vector.broadcast %lt3A_765 : i32 to vector<16xi32>
      %lt3A_767 = arith.cmpi slt, %sub3A_761, %lt3A_766 : vector<16xi32>
      %and3A_768 = arith.andi %ge3A_764, %lt3A_767 : vector<16xi1>
      %add3A_769 = arith.constant 16 : i32
      %add3A_770 = vector.broadcast %add3A_769 : i32 to vector<16xi32>
      %add3A_771 = arith.addi %iota3A_739, %add3A_770 : vector<16xi32>
      tpu.vector_store_idx %arg7[%sub3A_761, %add3A_771], %broadcast_in_dim3A_741 masked %and3A_768 : memref<40x128xf32, #tpu.memory_space<vmem>>[vector<16xi32>, vector<16xi32>], vector<16xf32>, vector<16xi1>
      %get3A_772 = arith.index_cast %select_n3A_729 : i32 to index
      %get3A_773 = arith.constant 32 : index
      %get3A_774 = tpu.vector_load %arg5[%get3A_772, %get3A_773] {strides = array<i32>} : memref<20x128xi32, #tpu.memory_space<vmem>>, vector<16xi32>,
      %sub3A_775 = vector.broadcast %mul3A_734 : i32 to vector<16xi32>
      %sub3A_776 = arith.subi %get3A_774, %sub3A_775 : vector<16xi32>
      %ge3A_777 = arith.constant 0 : i32
      %ge3A_778 = vector.broadcast %ge3A_777 : i32 to vector<16xi32>
      %ge3A_779 = arith.cmpi sge, %sub3A_776, %ge3A_778 : vector<16xi32>
      %lt3A_780 = arith.constant 40 : i32
      %lt3A_781 = vector.broadcast %lt3A_780 : i32 to vector<16xi32>
      %lt3A_782 = arith.cmpi slt, %sub3A_776, %lt3A_781 : vector<16xi32>
      %and3A_783 = arith.andi %ge3A_779, %lt3A_782 : vector<16xi1>
      %add3A_784 = arith.constant 32 : i32
      %add3A_785 = vector.broadcast %add3A_784 : i32 to vector<16xi32>
      %add3A_786 = arith.addi %iota3A_739, %add3A_785 : vector<16xi32>
      tpu.vector_store_idx %arg7[%sub3A_776, %add3A_786], %broadcast_in_dim3A_741 masked %and3A_783 : memref<40x128xf32, #tpu.memory_space<vmem>>[vector<16xi32>, vector<16xi32>], vector<16xf32>, vector<16xi1>
      %get3A_787 = arith.index_cast %select_n3A_729 : i32 to index
      %get3A_788 = arith.constant 48 : index
      %get3A_789 = tpu.vector_load %arg5[%get3A_787, %get3A_788] {strides = array<i32>} : memref<20x128xi32, #tpu.memory_space<vmem>>, vector<16xi32>,
      %sub3A_790 = vector.broadcast %mul3A_734 : i32 to vector<16xi32>
      %sub3A_791 = arith.subi %get3A_789, %sub3A_790 : vector<16xi32>
      %ge3A_792 = arith.constant 0 : i32
      %ge3A_793 = vector.broadcast %ge3A_792 : i32 to vector<16xi32>
      %ge3A_794 = arith.cmpi sge, %sub3A_791, %ge3A_793 : vector<16xi32>
      %lt3A_795 = arith.constant 40 : i32
      %lt3A_796 = vector.broadcast %lt3A_795 : i32 to vector<16xi32>
      %lt3A_797 = arith.cmpi slt, %sub3A_791, %lt3A_796 : vector<16xi32>
      %and3A_798 = arith.andi %ge3A_794, %lt3A_797 : vector<16xi1>
      %add3A_799 = arith.constant 48 : i32
      %add3A_800 = vector.broadcast %add3A_799 : i32 to vector<16xi32>
      %add3A_801 = arith.addi %iota3A_739, %add3A_800 : vector<16xi32>
      tpu.vector_store_idx %arg7[%sub3A_791, %add3A_801], %broadcast_in_dim3A_741 masked %and3A_798 : memref<40x128xf32, #tpu.memory_space<vmem>>[vector<16xi32>, vector<16xi32>], vector<16xf32>, vector<16xi1>
      %get3A_802 = arith.index_cast %select_n3A_729 : i32 to index
      %get3A_803 = arith.constant 64 : index
      %get3A_804 = tpu.vector_load %arg5[%get3A_802, %get3A_803] {strides = array<i32>} : memref<20x128xi32, #tpu.memory_space<vmem>>, vector<16xi32>,
      %sub3A_805 = vector.broadcast %mul3A_734 : i32 to vector<16xi32>
      %sub3A_806 = arith.subi %get3A_804, %sub3A_805 : vector<16xi32>
      %ge3A_807 = arith.constant 0 : i32
      %ge3A_808 = vector.broadcast %ge3A_807 : i32 to vector<16xi32>
      %ge3A_809 = arith.cmpi sge, %sub3A_806, %ge3A_808 : vector<16xi32>
      %lt3A_810 = arith.constant 40 : i32
      %lt3A_811 = vector.broadcast %lt3A_810 : i32 to vector<16xi32>
      %lt3A_812 = arith.cmpi slt, %sub3A_806, %lt3A_811 : vector<16xi32>
      %and3A_813 = arith.andi %ge3A_809, %lt3A_812 : vector<16xi1>
      %add3A_814 = arith.constant 64 : i32
      %add3A_815 = vector.broadcast %add3A_814 : i32 to vector<16xi32>
      %add3A_816 = arith.addi %iota3A_739, %add3A_815 : vector<16xi32>
      tpu.vector_store_idx %arg7[%sub3A_806, %add3A_816], %broadcast_in_dim3A_741 masked %and3A_813 : memref<40x128xf32, #tpu.memory_space<vmem>>[vector<16xi32>, vector<16xi32>], vector<16xf32>, vector<16xi1>
      %get3A_817 = arith.index_cast %select_n3A_729 : i32 to index
      %get3A_818 = arith.constant 80 : index
      %get3A_819 = tpu.vector_load %arg5[%get3A_817, %get3A_818] {strides = array<i32>} : memref<20x128xi32, #tpu.memory_space<vmem>>, vector<16xi32>,
      %sub3A_820 = vector.broadcast %mul3A_734 : i32 to vector<16xi32>
      %sub3A_821 = arith.subi %get3A_819, %sub3A_820 : vector<16xi32>
      %ge3A_822 = arith.constant 0 : i32
      %ge3A_823 = vector.broadcast %ge3A_822 : i32 to vector<16xi32>
      %ge3A_824 = arith.cmpi sge, %sub3A_821, %ge3A_823 : vector<16xi32>
      %lt3A_825 = arith.constant 40 : i32
      %lt3A_826 = vector.broadcast %lt3A_825 : i32 to vector<16xi32>
      %lt3A_827 = arith.cmpi slt, %sub3A_821, %lt3A_826 : vector<16xi32>
      %and3A_828 = arith.andi %ge3A_824, %lt3A_827 : vector<16xi1>
      %add3A_829 = arith.constant 80 : i32
      %add3A_830 = vector.broadcast %add3A_829 : i32 to vector<16xi32>
      %add3A_831 = arith.addi %iota3A_739, %add3A_830 : vector<16xi32>
      tpu.vector_store_idx %arg7[%sub3A_821, %add3A_831], %broadcast_in_dim3A_741 masked %and3A_828 : memref<40x128xf32, #tpu.memory_space<vmem>>[vector<16xi32>, vector<16xi32>], vector<16xf32>, vector<16xi1>
      %get3A_832 = arith.index_cast %select_n3A_729 : i32 to index
      %get3A_833 = arith.constant 96 : index
      %get3A_834 = tpu.vector_load %arg5[%get3A_832, %get3A_833] {strides = array<i32>} : memref<20x128xi32, #tpu.memory_space<vmem>>, vector<16xi32>,
      %sub3A_835 = vector.broadcast %mul3A_734 : i32 to vector<16xi32>
      %sub3A_836 = arith.subi %get3A_834, %sub3A_835 : vector<16xi32>
      %ge3A_837 = arith.constant 0 : i32
      %ge3A_838 = vector.broadcast %ge3A_837 : i32 to vector<16xi32>
      %ge3A_839 = arith.cmpi sge, %sub3A_836, %ge3A_838 : vector<16xi32>
      %lt3A_840 = arith.constant 40 : i32
      %lt3A_841 = vector.broadcast %lt3A_840 : i32 to vector<16xi32>
      %lt3A_842 = arith.cmpi slt, %sub3A_836, %lt3A_841 : vector<16xi32>
      %and3A_843 = arith.andi %ge3A_839, %lt3A_842 : vector<16xi1>
      %add3A_844 = arith.constant 96 : i32
      %add3A_845 = vector.broadcast %add3A_844 : i32 to vector<16xi32>
      %add3A_846 = arith.addi %iota3A_739, %add3A_845 : vector<16xi32>
      tpu.vector_store_idx %arg7[%sub3A_836, %add3A_846], %broadcast_in_dim3A_741 masked %and3A_843 : memref<40x128xf32, #tpu.memory_space<vmem>>[vector<16xi32>, vector<16xi32>], vector<16xf32>, vector<16xi1>
      %get3A_847 = arith.index_cast %select_n3A_729 : i32 to index
      %get3A_848 = arith.constant 112 : index
      %get3A_849 = tpu.vector_load %arg5[%get3A_847, %get3A_848] {strides = array<i32>} : memref<20x128xi32, #tpu.memory_space<vmem>>, vector<16xi32>,
      %sub3A_850 = vector.broadcast %mul3A_734 : i32 to vector<16xi32>
      %sub3A_851 = arith.subi %get3A_849, %sub3A_850 : vector<16xi32>
      %ge3A_852 = arith.constant 0 : i32
      %ge3A_853 = vector.broadcast %ge3A_852 : i32 to vector<16xi32>
      %ge3A_854 = arith.cmpi sge, %sub3A_851, %ge3A_853 : vector<16xi32>
      %lt3A_855 = arith.constant 40 : i32
      %lt3A_856 = vector.broadcast %lt3A_855 : i32 to vector<16xi32>
      %lt3A_857 = arith.cmpi slt, %sub3A_851, %lt3A_856 : vector<16xi32>
      %and3A_858 = arith.andi %ge3A_854, %lt3A_857 : vector<16xi1>
      %add3A_859 = arith.constant 112 : i32
      %add3A_860 = vector.broadcast %add3A_859 : i32 to vector<16xi32>
      %add3A_861 = arith.addi %iota3A_739, %add3A_860 : vector<16xi32>
      tpu.vector_store_idx %arg7[%sub3A_851, %add3A_861], %broadcast_in_dim3A_741 masked %and3A_858 : memref<40x128xf32, #tpu.memory_space<vmem>>[vector<16xi32>, vector<16xi32>], vector<16xf32>, vector<16xi1>
      %jit3A_862 = arith.constant 25 : i32
      %div3A_863 = arith.divsi %add3A_703, %jit3A_862 : i32
      %sign3A_864 = arith.constant 0 : i32
      %sign3A_865 = arith.cmpi sgt, %add3A_703, %sign3A_864 : i32
      %sign3A_866 = arith.extui %sign3A_865 : i1 to i32
      %sign3A_867 = arith.constant 0 : i32
      %sign3A_868 = arith.cmpi slt, %add3A_703, %sign3A_867 : i32
      %sign3A_869 = arith.extui %sign3A_868 : i1 to i32
      %sign3A_870 = arith.subi %sign3A_866, %sign3A_869 : i32
      %sign3A_871 = arith.constant 0 : i32
      %sign3A_872 = arith.cmpi sgt, %jit3A_862, %sign3A_871 : i32
      %sign3A_873 = arith.extui %sign3A_872 : i1 to i32
      %sign3A_874 = arith.constant 0 : i32
      %sign3A_875 = arith.cmpi slt, %jit3A_862, %sign3A_874 : i32
      %sign3A_876 = arith.extui %sign3A_875 : i1 to i32
      %sign3A_877 = arith.subi %sign3A_873, %sign3A_876 : i32
      %ne3A_878 = arith.cmpi ne, %sign3A_870, %sign3A_877 : i32
      %rem3A_879 = arith.remsi %add3A_703, %jit3A_862 : i32
      %ne3A_880 = arith.constant 0 : i32
      %ne3A_881 = arith.cmpi ne, %rem3A_879, %ne3A_880 : i32
      %and3A_882 = arith.andi %ne3A_878, %ne3A_881 : i1
      %sub3A_883 = arith.constant 1 : i32
      %sub3A_884 = arith.subi %div3A_863, %sub3A_883 : i32
      %select_n3A_885 = arith.select %and3A_882, %sub3A_884, %div3A_863 : i32
      %mul3A_886 = arith.constant 25 : i32
      %mul3A_887 = arith.muli %select_n3A_885, %mul3A_886 : i32
      %sub3A_888 = arith.subi %add3A_703, %mul3A_887 : i32
      %mul3A_889 = arith.constant 40 : i32
      %mul3A_890 = arith.muli %sub3A_888, %mul3A_889 : i32
      %iota3A_891 = tpu.iota {dimensions = array<i32: 0>} : vector<16xi32>
      %broadcast_in_dim3A_892 = arith.constant 1.000000e+00 : f32
      %broadcast_in_dim3A_893 = vector.broadcast %broadcast_in_dim3A_892 : f32 to vector<16xf32>
      %get3A_894 = arith.index_cast %select_n3A_885 : i32 to index
      %get3A_895 = arith.constant 0 : index
      %get3A_896 = tpu.vector_load %arg5[%get3A_894, %get3A_895] {strides = array<i32>} : memref<20x128xi32, #tpu.memory_space<vmem>>, vector<16xi32>,
      %sub3A_897 = vector.broadcast %mul3A_890 : i32 to vector<16xi32>
      %sub3A_898 = arith.subi %get3A_896, %sub3A_897 : vector<16xi32>
      %ge3A_899 = arith.constant 0 : i32
      %ge3A_900 = vector.broadcast %ge3A_899 : i32 to vector<16xi32>
      %ge3A_901 = arith.cmpi sge, %sub3A_898, %ge3A_900 : vector<16xi32>
      %lt3A_902 = arith.constant 40 : i32
      %lt3A_903 = vector.broadcast %lt3A_902 : i32 to vector<16xi32>
      %lt3A_904 = arith.cmpi slt, %sub3A_898, %lt3A_903 : vector<16xi32>
      %and3A_905 = arith.andi %ge3A_901, %lt3A_904 : vector<16xi1>
      %add3A_906 = arith.constant 0 : i32
      %add3A_907 = vector.broadcast %add3A_906 : i32 to vector<16xi32>
      %add3A_908 = arith.addi %iota3A_891, %add3A_907 : vector<16xi32>
      tpu.vector_store_idx %arg7[%sub3A_898, %add3A_908], %broadcast_in_dim3A_893 masked %and3A_905 : memref<40x128xf32, #tpu.memory_space<vmem>>[vector<16xi32>, vector<16xi32>], vector<16xf32>, vector<16xi1>
      %get3A_909 = arith.index_cast %select_n3A_885 : i32 to index
      %get3A_910 = arith.constant 16 : index
      %get3A_911 = tpu.vector_load %arg5[%get3A_909, %get3A_910] {strides = array<i32>} : memref<20x128xi32, #tpu.memory_space<vmem>>, vector<16xi32>,
      %sub3A_912 = vector.broadcast %mul3A_890 : i32 to vector<16xi32>
      %sub3A_913 = arith.subi %get3A_911, %sub3A_912 : vector<16xi32>
      %ge3A_914 = arith.constant 0 : i32
      %ge3A_915 = vector.broadcast %ge3A_914 : i32 to vector<16xi32>
      %ge3A_916 = arith.cmpi sge, %sub3A_913, %ge3A_915 : vector<16xi32>
      %lt3A_917 = arith.constant 40 : i32
      %lt3A_918 = vector.broadcast %lt3A_917 : i32 to vector<16xi32>
      %lt3A_919 = arith.cmpi slt, %sub3A_913, %lt3A_918 : vector<16xi32>
      %and3A_920 = arith.andi %ge3A_916, %lt3A_919 : vector<16xi1>
      %add3A_921 = arith.constant 16 : i32
      %add3A_922 = vector.broadcast %add3A_921 : i32 to vector<16xi32>
      %add3A_923 = arith.addi %iota3A_891, %add3A_922 : vector<16xi32>
      tpu.vector_store_idx %arg7[%sub3A_913, %add3A_923], %broadcast_in_dim3A_893 masked %and3A_920 : memref<40x128xf32, #tpu.memory_space<vmem>>[vector<16xi32>, vector<16xi32>], vector<16xf32>, vector<16xi1>
      %get3A_924 = arith.index_cast %select_n3A_885 : i32 to index
      %get3A_925 = arith.constant 32 : index
      %get3A_926 = tpu.vector_load %arg5[%get3A_924, %get3A_925] {strides = array<i32>} : memref<20x128xi32, #tpu.memory_space<vmem>>, vector<16xi32>,
      %sub3A_927 = vector.broadcast %mul3A_890 : i32 to vector<16xi32>
      %sub3A_928 = arith.subi %get3A_926, %sub3A_927 : vector<16xi32>
      %ge3A_929 = arith.constant 0 : i32
      %ge3A_930 = vector.broadcast %ge3A_929 : i32 to vector<16xi32>
      %ge3A_931 = arith.cmpi sge, %sub3A_928, %ge3A_930 : vector<16xi32>
      %lt3A_932 = arith.constant 40 : i32
      %lt3A_933 = vector.broadcast %lt3A_932 : i32 to vector<16xi32>
      %lt3A_934 = arith.cmpi slt, %sub3A_928, %lt3A_933 : vector<16xi32>
      %and3A_935 = arith.andi %ge3A_931, %lt3A_934 : vector<16xi1>
      %add3A_936 = arith.constant 32 : i32
      %add3A_937 = vector.broadcast %add3A_936 : i32 to vector<16xi32>
      %add3A_938 = arith.addi %iota3A_891, %add3A_937 : vector<16xi32>
      tpu.vector_store_idx %arg7[%sub3A_928, %add3A_938], %broadcast_in_dim3A_893 masked %and3A_935 : memref<40x128xf32, #tpu.memory_space<vmem>>[vector<16xi32>, vector<16xi32>], vector<16xf32>, vector<16xi1>
      %get3A_939 = arith.index_cast %select_n3A_885 : i32 to index
      %get3A_940 = arith.constant 48 : index
      %get3A_941 = tpu.vector_load %arg5[%get3A_939, %get3A_940] {strides = array<i32>} : memref<20x128xi32, #tpu.memory_space<vmem>>, vector<16xi32>,
      %sub3A_942 = vector.broadcast %mul3A_890 : i32 to vector<16xi32>
      %sub3A_943 = arith.subi %get3A_941, %sub3A_942 : vector<16xi32>
      %ge3A_944 = arith.constant 0 : i32
      %ge3A_945 = vector.broadcast %ge3A_944 : i32 to vector<16xi32>
      %ge3A_946 = arith.cmpi sge, %sub3A_943, %ge3A_945 : vector<16xi32>
      %lt3A_947 = arith.constant 40 : i32
      %lt3A_948 = vector.broadcast %lt3A_947 : i32 to vector<16xi32>
      %lt3A_949 = arith.cmpi slt, %sub3A_943, %lt3A_948 : vector<16xi32>
      %and3A_950 = arith.andi %ge3A_946, %lt3A_949 : vector<16xi1>
      %add3A_951 = arith.constant 48 : i32
      %add3A_952 = vector.broadcast %add3A_951 : i32 to vector<16xi32>
      %add3A_953 = arith.addi %iota3A_891, %add3A_952 : vector<16xi32>
      tpu.vector_store_idx %arg7[%sub3A_943, %add3A_953], %broadcast_in_dim3A_893 masked %and3A_950 : memref<40x128xf32, #tpu.memory_space<vmem>>[vector<16xi32>, vector<16xi32>], vector<16xf32>, vector<16xi1>
      %get3A_954 = arith.index_cast %select_n3A_885 : i32 to index
      %get3A_955 = arith.constant 64 : index
      %get3A_956 = tpu.vector_load %arg5[%get3A_954, %get3A_955] {strides = array<i32>} : memref<20x128xi32, #tpu.memory_space<vmem>>, vector<16xi32>,
      %sub3A_957 = vector.broadcast %mul3A_890 : i32 to vector<16xi32>
      %sub3A_958 = arith.subi %get3A_956, %sub3A_957 : vector<16xi32>
      %ge3A_959 = arith.constant 0 : i32
      %ge3A_960 = vector.broadcast %ge3A_959 : i32 to vector<16xi32>
      %ge3A_961 = arith.cmpi sge, %sub3A_958, %ge3A_960 : vector<16xi32>
      %lt3A_962 = arith.constant 40 : i32
      %lt3A_963 = vector.broadcast %lt3A_962 : i32 to vector<16xi32>
      %lt3A_964 = arith.cmpi slt, %sub3A_958, %lt3A_963 : vector<16xi32>
      %and3A_965 = arith.andi %ge3A_961, %lt3A_964 : vector<16xi1>
      %add3A_966 = arith.constant 64 : i32
      %add3A_967 = vector.broadcast %add3A_966 : i32 to vector<16xi32>
      %add3A_968 = arith.addi %iota3A_891, %add3A_967 : vector<16xi32>
      tpu.vector_store_idx %arg7[%sub3A_958, %add3A_968], %broadcast_in_dim3A_893 masked %and3A_965 : memref<40x128xf32, #tpu.memory_space<vmem>>[vector<16xi32>, vector<16xi32>], vector<16xf32>, vector<16xi1>
      %get3A_969 = arith.index_cast %select_n3A_885 : i32 to index
      %get3A_970 = arith.constant 80 : index
      %get3A_971 = tpu.vector_load %arg5[%get3A_969, %get3A_970] {strides = array<i32>} : memref<20x128xi32, #tpu.memory_space<vmem>>, vector<16xi32>,
      %sub3A_972 = vector.broadcast %mul3A_890 : i32 to vector<16xi32>
      %sub3A_973 = arith.subi %get3A_971, %sub3A_972 : vector<16xi32>
      %ge3A_974 = arith.constant 0 : i32
      %ge3A_975 = vector.broadcast %ge3A_974 : i32 to vector<16xi32>
      %ge3A_976 = arith.cmpi sge, %sub3A_973, %ge3A_975 : vector<16xi32>
      %lt3A_977 = arith.constant 40 : i32
      %lt3A_978 = vector.broadcast %lt3A_977 : i32 to vector<16xi32>
      %lt3A_979 = arith.cmpi slt, %sub3A_973, %lt3A_978 : vector<16xi32>
      %and3A_980 = arith.andi %ge3A_976, %lt3A_979 : vector<16xi1>
      %add3A_981 = arith.constant 80 : i32
      %add3A_982 = vector.broadcast %add3A_981 : i32 to vector<16xi32>
      %add3A_983 = arith.addi %iota3A_891, %add3A_982 : vector<16xi32>
      tpu.vector_store_idx %arg7[%sub3A_973, %add3A_983], %broadcast_in_dim3A_893 masked %and3A_980 : memref<40x128xf32, #tpu.memory_space<vmem>>[vector<16xi32>, vector<16xi32>], vector<16xf32>, vector<16xi1>
      %get3A_984 = arith.index_cast %select_n3A_885 : i32 to index
      %get3A_985 = arith.constant 96 : index
      %get3A_986 = tpu.vector_load %arg5[%get3A_984, %get3A_985] {strides = array<i32>} : memref<20x128xi32, #tpu.memory_space<vmem>>, vector<16xi32>,
      %sub3A_987 = vector.broadcast %mul3A_890 : i32 to vector<16xi32>
      %sub3A_988 = arith.subi %get3A_986, %sub3A_987 : vector<16xi32>
      %ge3A_989 = arith.constant 0 : i32
      %ge3A_990 = vector.broadcast %ge3A_989 : i32 to vector<16xi32>
      %ge3A_991 = arith.cmpi sge, %sub3A_988, %ge3A_990 : vector<16xi32>
      %lt3A_992 = arith.constant 40 : i32
      %lt3A_993 = vector.broadcast %lt3A_992 : i32 to vector<16xi32>
      %lt3A_994 = arith.cmpi slt, %sub3A_988, %lt3A_993 : vector<16xi32>
      %and3A_995 = arith.andi %ge3A_991, %lt3A_994 : vector<16xi1>
      %add3A_996 = arith.constant 96 : i32
      %add3A_997 = vector.broadcast %add3A_996 : i32 to vector<16xi32>
      %add3A_998 = arith.addi %iota3A_891, %add3A_997 : vector<16xi32>
      tpu.vector_store_idx %arg7[%sub3A_988, %add3A_998], %broadcast_in_dim3A_893 masked %and3A_995 : memref<40x128xf32, #tpu.memory_space<vmem>>[vector<16xi32>, vector<16xi32>], vector<16xf32>, vector<16xi1>
      %get3A_999 = arith.index_cast %select_n3A_885 : i32 to index
      %get3A_1000 = arith.constant 112 : index
      %get3A_1001 = tpu.vector_load %arg5[%get3A_999, %get3A_1000] {strides = array<i32>} : memref<20x128xi32, #tpu.memory_space<vmem>>, vector<16xi32>,
      %sub3A_1002 = vector.broadcast %mul3A_890 : i32 to vector<16xi32>
      %sub3A_1003 = arith.subi %get3A_1001, %sub3A_1002 : vector<16xi32>
      %ge3A_1004 = arith.constant 0 : i32
      %ge3A_1005 = vector.broadcast %ge3A_1004 : i32 to vector<16xi32>
      %ge3A_1006 = arith.cmpi sge, %sub3A_1003, %ge3A_1005 : vector<16xi32>
      %lt3A_1007 = arith.constant 40 : i32
      %lt3A_1008 = vector.broadcast %lt3A_1007 : i32 to vector<16xi32>
      %lt3A_1009 = arith.cmpi slt, %sub3A_1003, %lt3A_1008 : vector<16xi32>
      %and3A_1010 = arith.andi %ge3A_1006, %lt3A_1009 : vector<16xi1>
      %add3A_1011 = arith.constant 112 : i32
      %add3A_1012 = vector.broadcast %add3A_1011 : i32 to vector<16xi32>
      %add3A_1013 = arith.addi %iota3A_891, %add3A_1012 : vector<16xi32>
      tpu.vector_store_idx %arg7[%sub3A_1003, %add3A_1013], %broadcast_in_dim3A_893 masked %and3A_1010 : memref<40x128xf32, #tpu.memory_space<vmem>>[vector<16xi32>, vector<16xi32>], vector<16xf32>, vector<16xi1>
      %dma_start3A_1014 = tpu.memref_slice %arg4[%select_n3A_885, %mul3A_890, %mul3A_2] : memref<20x1000x4096xf32, #tpu.memory_space<hbm>> -> memref<1x40x128xf32, #tpu.memory_space<hbm>>
      %dma_start3A_1015 = tpu.memref_squeeze %dma_start3A_1014 : memref<1x40x128xf32, #tpu.memory_space<hbm>> -> memref<40x128xf32, #tpu.memory_space<hbm>>
      %dma_start3A_1016 = tpu.memref_slice %arg4[%select_n3A_885, %mul3A_890, %mul3A_2] : memref<20x1000x4096xf32, #tpu.memory_space<hbm>> -> memref<1x40x128xf32, #tpu.memory_space<hbm>>
      %dma_start3A_1017 = tpu.memref_squeeze %dma_start3A_1016 : memref<1x40x128xf32, #tpu.memory_space<hbm>> -> memref<40x128xf32, #tpu.memory_space<hbm>>
      tpu.enqueue_dma source(%arg7 : memref<40x128xf32, #tpu.memory_space<vmem>>) target(%dma_start3A_1017 : memref<40x128xf32, #tpu.memory_space<hbm>>) target_semaphore(%arg9 : memref<!tpu.dma_semaphore, #tpu.memory_space<semaphore_mem>>)
      %scan3A_1018 = arith.constant 0 : i32
      scf.yield %scan3A_1018 : i32
    }
    %scan3A_310 = arith.constant 249 : i32
    %jit3A_311 = arith.constant 498 : i32
    %jit3A_312 = arith.constant 25 : i32
    %div3A_313 = arith.divsi %jit3A_311, %jit3A_312 : i32
    %sign3A_314 = arith.constant 0 : i32
    %sign3A_315 = arith.cmpi sgt, %jit3A_311, %sign3A_314 : i32
    %sign3A_316 = arith.extui %sign3A_315 : i1 to i32
    %sign3A_317 = arith.constant 0 : i32
    %sign3A_318 = arith.cmpi slt, %jit3A_311, %sign3A_317 : i32
    %sign3A_319 = arith.extui %sign3A_318 : i1 to i32
    %sign3A_320 = arith.subi %sign3A_316, %sign3A_319 : i32
    %sign3A_321 = arith.constant 0 : i32
    %sign3A_322 = arith.cmpi sgt, %jit3A_312, %sign3A_321 : i32
    %sign3A_323 = arith.extui %sign3A_322 : i1 to i32
    %sign3A_324 = arith.constant 0 : i32
    %sign3A_325 = arith.cmpi slt, %jit3A_312, %sign3A_324 : i32
    %sign3A_326 = arith.extui %sign3A_325 : i1 to i32
    %sign3A_327 = arith.subi %sign3A_323, %sign3A_326 : i32
    %ne3A_328 = arith.cmpi ne, %sign3A_320, %sign3A_327 : i32
    %rem3A_329 = arith.remsi %jit3A_311, %jit3A_312 : i32
    %ne3A_330 = arith.constant 0 : i32
    %ne3A_331 = arith.cmpi ne, %rem3A_329, %ne3A_330 : i32
    %and3A_332 = arith.andi %ne3A_328, %ne3A_331 : i1
    %sub3A_333 = arith.constant 1 : i32
    %sub3A_334 = arith.subi %div3A_313, %sub3A_333 : i32
    %select_n3A_335 = arith.select %and3A_332, %sub3A_334, %div3A_313 : i32
    %mul3A_336 = arith.constant 25 : i32
    %mul3A_337 = arith.muli %select_n3A_335, %mul3A_336 : i32
    %sub3A_338 = arith.constant 498 : i32
    %sub3A_339 = arith.subi %sub3A_338, %mul3A_337 : i32
    %mul3A_340 = arith.constant 40 : i32
    %mul3A_341 = arith.muli %sub3A_339, %mul3A_340 : i32
    %dma_wait3A = tpu.memref_slice %arg4[%select_n3A_335, %mul3A_341, %mul3A_2] : memref<20x1000x4096xf32, #tpu.memory_space<hbm>> -> memref<1x40x128xf32, #tpu.memory_space<hbm>>
    %dma_wait3A_342 = tpu.memref_squeeze %dma_wait3A : memref<1x40x128xf32, #tpu.memory_space<hbm>> -> memref<40x128xf32, #tpu.memory_space<hbm>>
    %dma_wait3A_343 = tpu.memref_slice %arg4[%select_n3A_335, %mul3A_341, %mul3A_2] : memref<20x1000x4096xf32, #tpu.memory_space<hbm>> -> memref<1x40x128xf32, #tpu.memory_space<hbm>>
    %dma_wait3A_344 = tpu.memref_squeeze %dma_wait3A_343 : memref<1x40x128xf32, #tpu.memory_space<hbm>> -> memref<40x128xf32, #tpu.memory_space<hbm>>
    tpu.wait_dma2 semaphore(%arg8 : memref<!tpu.dma_semaphore, #tpu.memory_space<semaphore_mem>>) src(%arg6 : memref<40x128xf32, #tpu.memory_space<vmem>>) dst(%dma_wait3A_344 : memref<40x128xf32, #tpu.memory_space<hbm>>)
    %jit3A_345 = arith.constant 499 : i32
    %jit3A_346 = arith.constant 25 : i32
    %div3A_347 = arith.divsi %jit3A_345, %jit3A_346 : i32
    %sign3A_348 = arith.constant 0 : i32
    %sign3A_349 = arith.cmpi sgt, %jit3A_345, %sign3A_348 : i32
    %sign3A_350 = arith.extui %sign3A_349 : i1 to i32
    %sign3A_351 = arith.constant 0 : i32
    %sign3A_352 = arith.cmpi slt, %jit3A_345, %sign3A_351 : i32
    %sign3A_353 = arith.extui %sign3A_352 : i1 to i32
    %sign3A_354 = arith.subi %sign3A_350, %sign3A_353 : i32
    %sign3A_355 = arith.constant 0 : i32
    %sign3A_356 = arith.cmpi sgt, %jit3A_346, %sign3A_355 : i32
    %sign3A_357 = arith.extui %sign3A_356 : i1 to i32
    %sign3A_358 = arith.constant 0 : i32
    %sign3A_359 = arith.cmpi slt, %jit3A_346, %sign3A_358 : i32
    %sign3A_360 = arith.extui %sign3A_359 : i1 to i32
    %sign3A_361 = arith.subi %sign3A_357, %sign3A_360 : i32
    %ne3A_362 = arith.cmpi ne, %sign3A_354, %sign3A_361 : i32
    %rem3A_363 = arith.remsi %jit3A_345, %jit3A_346 : i32
    %ne3A_364 = arith.constant 0 : i32
    %ne3A_365 = arith.cmpi ne, %rem3A_363, %ne3A_364 : i32
    %and3A_366 = arith.andi %ne3A_362, %ne3A_365 : i1
    %sub3A_367 = arith.constant 1 : i32
    %sub3A_368 = arith.subi %div3A_347, %sub3A_367 : i32
    %select_n3A_369 = arith.select %and3A_366, %sub3A_368, %div3A_347 : i32
    %mul3A_370 = arith.constant 25 : i32
    %mul3A_371 = arith.muli %select_n3A_369, %mul3A_370 : i32
    %sub3A_372 = arith.constant 499 : i32
    %sub3A_373 = arith.subi %sub3A_372, %mul3A_371 : i32
    %mul3A_374 = arith.constant 40 : i32
    %mul3A_375 = arith.muli %sub3A_373, %mul3A_374 : i32
    %dma_wait3A_376 = tpu.memref_slice %arg4[%select_n3A_369, %mul3A_375, %mul3A_2] : memref<20x1000x4096xf32, #tpu.memory_space<hbm>> -> memref<1x40x128xf32, #tpu.memory_space<hbm>>
    %dma_wait3A_377 = tpu.memref_squeeze %dma_wait3A_376 : memref<1x40x128xf32, #tpu.memory_space<hbm>> -> memref<40x128xf32, #tpu.memory_space<hbm>>
    %dma_wait3A_378 = tpu.memref_slice %arg4[%select_n3A_369, %mul3A_375, %mul3A_2] : memref<20x1000x4096xf32, #tpu.memory_space<hbm>> -> memref<1x40x128xf32, #tpu.memory_space<hbm>>
    %dma_wait3A_379 = tpu.memref_squeeze %dma_wait3A_378 : memref<1x40x128xf32, #tpu.memory_space<hbm>> -> memref<40x128xf32, #tpu.memory_space<hbm>>
    tpu.wait_dma2 semaphore(%arg9 : memref<!tpu.dma_semaphore, #tpu.memory_space<semaphore_mem>>) src(%arg7 : memref<40x128xf32, #tpu.memory_space<vmem>>) dst(%dma_wait3A_379 : memref<40x128xf32, #tpu.memory_space<hbm>>)
    return
  }
}

</mosaic_0001>

<sc_bundles>
// kernel: _onehot.3.cloned.1.call-start
scs
__scs_entry_jumppad:
0x0: {  	(pc) =	sbr.rel $0x88, $3  }
0x1: {  	(tag) =	ssettag $0x0;
	lr =	simm.s32 $0x1  }
0x2: {  	[smem:$0x3F9F] =	sst lr;
	_ =	strace $0xD0000000  }
0x3: {  	_ = 	snop  }
0x4: {  	_ = 	snop  }
0x5: {  	_ = 	snop  }
0x6: {  	_ = 	snop  }
0x7: {  	_ = 	snop  }
__scs_overlays_trampoline_lowered:
0x8: {  	[smem:$0x3FAE] =	sst s0  }
0x9: {  	[smem:$0x3FAF] =	sst s1  }
0xa: {  	[smem:$0x3FB0] =	sst s2  }
0xb: {  	[smem:$0x3FB1] =	sst s3  }
0xc: {  	[smem:$0x3FB2] =	sst s4  }
0xd: {  	[smem:$0x3FB3] =	sst s5  }
0xe: {  	[smem:$0x3FB4] =	sst s6  }
0xf: {  	[smem:$0x3FB5] =	sst s7  }
0x10: {  	[smem:$0x3FB6] =	sst s8  }
0x11: {  	[smem:$0x3FB7] =	sst s9;
	s0 =	simm.s32 @!p0 $0x0  }
0x12: {  	s1 =	sld [smem:$0x3F9D];
	s0 =	simm.s32 @p0 $0x1  }
0x13: {  	[smem:$0x3FB8] =	sst s0;
	s0 =	simm.s32 @!p1 $0x0  }
0x14: {  	s2 =	sld [smem:$0x3F9C];
	s0 =	simm.s32 @p1 $0x1  }
0x15: {  	[smem:$0x3FB9] =	sst s0;
	s0 =	simm.s32 @!p2 $0x0  }
0x16: {  	s3 =	sld [smem:$0x3FDB];
	s0 =	simm.s32 @p2 $0x1  }
0x17: {  	s4 =	simm.s32 $0x1BF5;
	[smem:$0x3FBB] =	sst s0  }
0x18: {  	s0 =	sld [smem:$0x3F9E];
	_ =	swait.ge [sflag:s4], $0x0  }
0x19: {  	s7 =	sld [smem:$0x3F9F]  }
0x1a: {  	s8 =	sadd.s32 $0xFFFFE003, lr  }
0x1b: {  	s9 =	sadd.s32 $0xFFFFFEF7, lr;
	s5 =	simm.s32 $0xFFFFFFFF;
	p2 =	slt.u32 s8, $0xFFFFF086  }
0x1c: {  	p1 =	slt.u32 s9, $0xF7A;
	s5 =	simm.s32 @!p2 $0x0  }
0x1d: {  	s5 =	simm.s32 @p1 $0x1;
	p0 =	seq.s32 s7, s2  }
0x1e: {  	s7 =	smul.u32 @!p0 $0xF7A, s2;
	p2 =	seq.s32 @!p0 s5, $0x0  }
0x1f: {  	s9 =	smul.u32 $0xF7A, s1;
	s8 =	simm.s32 @!p0 $0x1BF5;
	p2 =	por !p2, p0  }
0x20: {  	[sflag:s8] =	ssyncset.s32 @!p0 $0xFFFFF086;
	s6 =	sadd.s32 @!p0 s3, s7;
	s7 =	simm.s32 @!p0 $0x108  }
0x21: {  	s3 =	sadd.s32 s3, s9;
	s6 =	sadd.s32 @!p0 $0x88, s6;
	s7 =	simm.s32 @p2 $0x1082  }
0x22: {  	[simem:s7], [sflag:s8] =	dma.local @!p0 [hbm:s6], $0xF7A  }
0x23: {  	s9 =	sor.u32 $0xD0000000, s2;
	s6 =	simm.s32 $0x108;
	_ =	swait.ge @!p0 [sflag:s8], $0x0  }
0x24: {  	s3 =	sadd.s32 $0x88, s3;
	s6 =	simm.s32 @!p1 $0x1082;
	[sflag:s4] =	ssyncset.s32 $0xFFFFF086  }
0x25: {  	[simem:s6], [sflag:s4] =	dma.local [hbm:s3], $0xF7A  }
0x26: {  	[smem:$0x3F9F] =	sst s1;
	(tag) =	ssettag s2;
	_ =	strace s9  }
0x27: {  	s1 =	sld [smem:$0x3FAF]  }
0x28: {  	s2 =	sld [smem:$0x3FB0]  }
0x29: {  	s4 =	sld [smem:$0x3FB2]  }
0x2a: {  	p0 =	seq.s32 s5, $0x0;
	s5 =	sld [smem:$0x3FB3]  }
0x2b: {  	s6 =	sld [smem:$0x3FB4]  }
0x2c: {  	s7 =	sld [smem:$0x3FB5]  }
0x2d: {  	s3 =	simm.s32 $0x108;
	s8 =	sld [smem:$0x3FB6]  }
0x2e: {  	s3 =	simm.s32 @!p0 $0x1082;
	s9 =	sld [smem:$0x3FB7]  }
0x2f: {  	lr =	sadd.s32 s0, s3;
	s0 =	sld [smem:$0x3FAE]  }
0x30: {  	s3 =	sld [smem:$0x3FB1]  }
0x31: {  	[smem:$0x3FBA] =	sst s10  }
0x32: {  	s10 =	sld [smem:$0x3FB8];
	_ =	sdelay $0x3  }
0x33: {  	p0 =	seq.s32 s10, $0x1;
	s10 =	sld [smem:$0x3FBA];
	_ =	sdelay $0x3  }
0x34: {  	[smem:$0x3FBA] =	sst s10  }
0x35: {  	s10 =	sld [smem:$0x3FB9];
	_ =	sdelay $0x3  }
0x36: {  	p1 =	seq.s32 s10, $0x1;
	s10 =	sld [smem:$0x3FBA];
	_ =	sdelay $0x3  }
0x37: {  	[smem:$0x3FBA] =	sst s10  }
0x38: {  	s10 =	sld [smem:$0x3FBB]  }
0x39: {  	_ = 	snop;
	(pc) =	sbr.ind lr, $3  }
0x3a: {  	_ = 	snop  }
0x3b: {  	_ = 	snop  }
0x3c: {  	p2 =	seq.s32 s10, $0x1;
	s10 =	sld [smem:$0x3FBA]  }
0x3d: {  	_ =	shalt  }
0x3e: {  	_ =	shalt  }
0x3f: {  	_ =	shalt  }
0x40: {  	_ =	shalt  }
0x41: {  	_ =	shalt  }
0x42: {  	_ =	shalt  }
0x43: {  	_ =	shalt  }
0x44: {  	_ =	shalt  }
0x45: {  	_ =	shalt  }
0x46: {  	_ =	shalt  }
0x47: {  	_ =	shalt  }
0x48: {  	_ =	shalt  }
0x49: {  	_ =	shalt  }
0x4a: {  	_ =	shalt  }
0x4b: {  	_ =	shalt  }
0x4c: {  	_ =	shalt  }
0x4d: {  	_ =	shalt  }
0x4e: {  	_ =	shalt  }
0x4f: {  	_ =	shalt  }
0x50: {  	_ =	shalt  }
0x51: {  	_ =	shalt  }
0x52: {  	_ =	shalt  }
0x53: {  	_ =	shalt  }
0x54: {  	_ =	shalt  }
0x55: {  	_ =	shalt  }
0x56: {  	_ =	shalt  }
0x57: {  	_ =	shalt  }
0x58: {  	_ =	shalt  }
0x59: {  	_ =	shalt  }
0x5a: {  	_ =	shalt  }
0x5b: {  	_ =	shalt  }
0x5c: {  	_ =	shalt  }
0x5d: {  	_ =	shalt  }
0x5e: {  	_ =	shalt  }
0x5f: {  	_ =	shalt  }
0x60: {  	_ =	shalt  }
0x61: {  	_ =	shalt  }
0x62: {  	_ =	shalt  }
0x63: {  	_ =	shalt  }
0x64: {  	_ =	shalt  }
0x65: {  	_ =	shalt  }
0x66: {  	_ =	shalt  }
0x67: {  	_ =	shalt  }
0x68: {  	_ =	shalt  }
0x69: {  	_ =	shalt  }
0x6a: {  	_ =	shalt  }
0x6b: {  	_ =	shalt  }
0x6c: {  	_ =	shalt  }
0x6d: {  	_ =	shalt  }
0x6e: {  	_ =	shalt  }
0x6f: {  	_ =	shalt  }
0x70: {  	_ =	shalt  }
0x71: {  	_ =	shalt  }
0x72: {  	_ =	shalt  }
0x73: {  	_ =	shalt  }
0x74: {  	_ =	shalt  }
0x75: {  	_ =	shalt  }
0x76: {  	_ =	shalt  }
0x77: {  	_ =	shalt  }
0x78: {  	_ =	shalt  }
0x79: {  	_ =	shalt  }
0x7a: {  	_ =	shalt  }
0x7b: {  	_ =	shalt  }
0x7c: {  	_ =	shalt  }
0x7d: {  	_ =	shalt  }
0x7e: {  	_ =	shalt  }
0x7f: {  	_ =	shalt  }
0x80: {  	_ =	shalt  }
0x81: {  	_ =	shalt  }
0x82: {  	_ =	shalt  }
0x83: {  	_ =	shalt  }
0x84: {  	_ =	shalt  }
0x85: {  	_ =	shalt  }
0x86: {  	_ =	shalt  }
0x87: {  	_ =	shalt  }
.Lfunc_end0:
.L_simem_size_0:
called_computation_lowered:
.L_overlay_start_0:
0x88: {  	s2 =	sld [smem:$0x3FD9]  }
0x89: {  	s3 =	sld [smem:$0x3FFE];
	_ =	sdelay $0x1  }
0x8a: {  	s1 =	srdreg.scid  }
0x8b: {  	s0 =	sand.u32 $0x1, s1  }
0x8c: {  	s17 =	sshll.u32 s0, $0xA;
	s2 =	sadd.s32 s3, s2  }
0x8d: {  	s2 =	sadd.s32 s2, s17  }
0x8e: {  	[smem:$0x3FC6] =	sst s2  }
0x8f: {  	_ = 	snop  }
0x90: {  	s2 =	sld [smem:$0x3FC8]  }
0x91: {  	s18 =	sld [smem:$0x3FD0];
	(tm) =	ssettm $0x1  }
0x92: {  	s4 =	sld [smem:$0x3FFB];
	_ =	sdelay $0x3  }
0x93: {  	_ =	strace s4  }
0x94: {  	s4 =	sld [smem:$0x3FFC];
	_ =	sdelay $0x3  }
0x95: {  	_ =	strace s4  }
0x96: {  	s4 =	sld [smem:$0x3FFD];
	_ =	sdelay $0x3  }
0x97: {  	_ =	strace s4  }
0x98: {  	_ =	strace $0x8FFFFFFF  }
0x99: {  	s19 =	sld [smem:$0x3FDB];
	_ =	sdelay $0x1  }
0x9a: {  	s5 =	simm.s32 $_scs_section_size  }
0x9b: {  	s6 =	simm.s32 $_size__tile_overlayer_lowered;
	s7 =	simm.s32 $_tile_overlayer_lowered  }
0x9c: {  	s22 =	simm.s32 $0x1BFF;
	s21 =	sshll.u32 s7, $0x1;
	s4 =	sadd.s32 s5, s19  }
0x9d: {  	s8 =	simm.s32 $0x0;
	s20 =	sshll.u32 s6, $0x1;
	s6 =	sadd.s32 s21, s4  }
0x9e: {  	[timem:s8], [sflag:s22] =	dma.local [hbm:s6], s20  }
0x9f: {  	_ =	swait.ge [sflag:s22], s20  }
0xa0: {  	s5 =	ssub.s32 $0x0, s20;
	[sflag:s22] =	ssyncset.done $0x0  }
0xa1: {  	[sflag:s22] =	ssyncadd.s32 s5;
	_ =	sdelay $0x1  }
0xa2: {  	s23 =	simm.s32 $0x1B8B  }
0xa3: {  	_ =	swait.ge [sflag:s23], $0x1  }
0xa4: {  	[sflag:s23] =	ssyncset.done $0x0  }
0xa5: {  	s25 =	simm.s32 $0x1B8E;
	s24 =	sld [smem:$0x3FFE];
	[sflag:s23] =	ssyncadd.s32 $0xFFFFFFFF  }
0xa6: {  	s26 =	simm.s32 $execute0_lowered;
	[smem:$0x3FD2] =	sst s25  }
0xa7: {  	s6 =	sshll.u32 s26, $0x1;
	_ =	strace $0x80000046;
	[dreg:$0x1] =	wrdreg $0xFFFFFFFF  }
0xa8: {  	s28 =	simm.s32 $_size_execute0_lowered;
	s4 =	sadd.s32 s4, s6;
	[dreg:$0x0] =	wrdreg $0x0  }
0xa9: {  	s6 =	sshll.u32 s28, $0x1;
	[dreg:$0x2] =	wrdreg s4  }
0xaa: {  	[dreg:$0x3] =	wrdreg s6  }
0xab: {  	[dreg:$0x4] =	wrdreg $0xC0  }
0xac: {  	_ =	task [dreg:s8], $0x5FFFF  }
0xad: {  	[dreg:$0x1] =	wrdreg $0xFFFFFFFF  }
0xae: {  	[dreg:$0x0] =	wrdreg $0x60  }
0xaf: {  	[dreg:$0x2] =	wrdreg s24  }
0xb0: {  	[dreg:$0x3] =	wrdreg s2  }
0xb1: {  	[dreg:$0x4] =	wrdreg s18  }
0xb2: {  	[dreg:$0x5] =	wrdreg $0x9  }
0xb3: {  	_ =	task.clear_ibuf [dreg:s8], $0x6FFFF;
	_ =	strace $0x90000046  }
0xb4: {  	s29 =	simm.s32 $0x9;
	_ =	strace $0x80000048  }
0xb5: {  	_ =	swait.ge [sflag:s29], $0x1  }
0xb6: {  	[sflag:s29] =	ssyncadd.s32 $0xFFFFFFFF  }
0xb7: {  	_ =	strace $0x90000048  }
0xb8: {  	_ =	sfence  }
0xb9: {  	s30 =	sld [smem:$0x0];
	_ =	sdelay $0x2  }
0xba: {  	s31 =	sshll.u32 s1, $0xD;
	s1 =	sshrl.u32 s1, $0x2  }
0xbb: {  	s3 =	sand.u32 $0x4000, s31;
	s1 =	sadd.s32 s1, s30  }
0xbc: {  	s0 =	sor.u32 s3, s0;
	s1 =	sshll.u32 s1, $0x11  }
0xbd: {  	s0 =	sor.u32 s1, s0  }
0xbe: {  	s0 =	sadd.s32 $0x8F2B, s0  }
0xbf: {  	[sflag:s0] =	ssyncadd.remote.s32 $0x1  }
0xc0: {  	_ =	sfence.sel $0xFFFF  }
0xc1: {  	[dreg:$0x0] =	wrdreg $0xFFFFFFFF;
	(pc) =	sbr.abs _section_cstart, $3  }
0xc2: {  	[dreg:$0x1] =	wrdreg $0xFFFFFFFF  }
0xc3: {  	_ =	task.clear_ibuf [dreg:s8], $0x2FFFF;
	_ =	strace $0x9FFFFFFF  }
0xc4: {  	(tm) =	ssettm $0x7FFFFFFF  }
0xc5: {  	_ =	shalt  }
tec
execute0_lowered:
.L_overlay_start_1:
0x0: {  	(tag) =	ssettag $0x1  }
0x1: {  	s5 =	rddreg [dreg:$0x0]  }
0x2: {  	s1 =	srdreg.scid;
	s2 =	rddreg [dreg:$0x1]  }
0x3: {  	s0 =	stileid.u32;
	s3 =	rddreg [dreg:$0x2];
	s4 =	simm.s32 $0x0  }
0x4: {  	s11 =	simm.s32 $0xC00;
	s12 =	simm.s32 $0x2000;
	s13 =	simm.s32 $0x400  }
0x5: {  	s14 =	simm.s32 $0x8000;
	s15 =	simm.s32 $0x1;
	s16 =	simm.s32 $0x2  }
0x6: {  	s17 =	simm.s32 $0x0;
	s6 =	sand.u32 $0x1, s1;
	s1 =	rddreg [dreg:$0x3]  }
0x7: {  	s29 =	sshll.u32 s0, $0x1;
	[smem:$0x7FF] =	sst s4;
	s10 =	sshll.u32 s0, $0xB  }
0x8: {  	v0 =	vlaneseq.u32;
	v1 =	vimm.f32 $1.000000000e+00;
	v17 =	vimm.f32 $0.0e+00;
	s7 =	sor.u32 s6, s29;
	_ =	strace $0x80000047;
	s30 =	ssub.s32 $0x2, s6  }
0x9: {  	v2 =	vor.u32 $0x10, v0;
	v3 =	vor.u32 $0x20, v0;
	v4 =	vor.u32 $0x30, v0;
	s6 =	sshll.u32 s6, $0xA;
	s8 =	smul.u32 $0x180, s7;
	s7 =	sshll.u32 s7, $0x7  }
0xa: {  	v5 =	vor.u32 $0x40, v0;
	v6 =	vor.u32 $0x50, v0;
	v7 =	vor.u32 $0x60, v0;
	s9 =	sshrl.u32 s30, $0x1;
	s10 =	sor.u32 s6, s10;
	s6 =	sadd.s32 s3, s7  }
0xb: {  	v8 =	vor.u32 $0x70, v0;
	v9 =	vor.u32 $0xFFFFEC00, v0;
	v10 =	vor.u32 $0xFFFFEC10, v0;
	s31 =	sor.u32 $0x78000, s10;
	s10 =	sor.u32 $0x50000, s10;
	s5 =	sadd.s32 s8, s5  }
0xc: {  	v11 =	vor.u32 $0xFFFFEC20, v0;
	v12 =	vor.u32 $0xFFFFEC30, v0;
	v13 =	vor.u32 $0xFFFFEC40, v0;
	s8 =	ssub.s32 s30, s9;
	s7 =	sadd.s32 $0x5000, s6;
	s9 =	sshrl.u32 s31, $0x3  }
0xd: {  	v14 =	vor.u32 $0xFFFFEC50, v0;
	v15 =	vor.u32 $0xFFFFEC60, v0;
	v16 =	vor.u32 $0xFFFFEC70, v0;
	s5 =	sadd.s32 $0x400, s5;
	s8 =	smax.u32 s8, $0x1;
	s9 =	sadd.s32 s9, s3  }
.LBB2_1:
0xe: {  	[tilespmem:s11], [sflag:$0x1] =	stream.linear.gather [hbm4b:s2+s4], $0x1400, $0x38;
	[tilespmem:$0x3400] =	vst v63  }
0xf: {  	_ = 	snop  }
0x10: {  	[tilespmem:s12], [sflag:$0x2] =	stream.linear.gather [hbm4b:s2+s4], $0x1400, $0x38;
	[tilespmem:$0x3400] =	vst v63  }
0x11: {  	s18 =	simm.s32 $0x3  }
0x12: {  	[tilespmem:s4], [sflag:$0x3] =	stream.linear.gather [hbm4b:s5+s4], $0xA00, $0x38;
	[tilespmem:$0x3400] =	vst v63  }
0x13: {  	_ =	swait.ge [sflag:s18], $0xA00  }
0x14: {  	[sflag:s18] =	ssyncset.done $0x0  }
0x15: {  	[sflag:s18] =	ssyncadd.s32 $0xFFFFF600  }
0x16: {  	_ =	swait.ge [sflag:s15], $0x1400  }
0x17: {  	[sflag:s15] =	ssyncset.done $0x0  }
0x18: {  	[sflag:s15] =	ssyncadd.s32 $0xFFFFEC00  }
0x19: {  	_ =	swait.ge [sflag:s16], $0x1400  }
0x1a: {  	[sflag:s16] =	ssyncset.done $0x0  }
0x1b: {  	[sflag:s16] =	ssyncadd.s32 $0xFFFFEC00  }
0x1c: {  	v18 =	vld [tilespmem:$0x0];
	_ =	sdelay $0x4  }
0x1d: {  	vm0 =	vlt.u32 v18, $0x28;
	v18 =	vshll.u32 v18, $0x7  }
0x1e: {  	v18 =	vor.u32 v0, v18;
	_ =	sdelay $0x4  }
0x1f: {  	[tilespmem:v18+s11+$0x0] =	vst.idx.msk vm0, v1  }
0x20: {  	v18 =	vld [tilespmem:$0x10];
	_ =	sdelay $0x4  }
0x21: {  	vm13 =	vlt.u32 v18, $0x28;
	v18 =	vshll.u32 v18, $0x7  }
0x22: {  	v18 =	vor.u32 v2, v18;
	_ =	sdelay $0x4  }
0x23: {  	[tilespmem:v18+s11+$0x0] =	vst.idx.msk vm13, v1  }
0x24: {  	v18 =	vld [tilespmem:$0x20];
	_ =	sdelay $0x4  }
0x25: {  	vm14 =	vlt.u32 v18, $0x28;
	v18 =	vshll.u32 v18, $0x7  }
0x26: {  	v18 =	vor.u32 v3, v18;
	_ =	sdelay $0x4  }
0x27: {  	[tilespmem:v18+s11+$0x0] =	vst.idx.msk vm14, v1  }
0x28: {  	v18 =	vld [tilespmem:$0x30];
	_ =	sdelay $0x4  }
0x29: {  	vm15 =	vlt.u32 v18, $0x28;
	v18 =	vshll.u32 v18, $0x7  }
0x2a: {  	v18 =	vor.u32 v4, v18;
	_ =	sdelay $0x4  }
0x2b: {  	[tilespmem:v18+s11+$0x0] =	vst.idx.msk vm15, v1  }
0x2c: {  	v18 =	vld [tilespmem:$0x40];
	_ =	sdelay $0x4  }
0x2d: {  	vm4 =	vlt.u32 v18, $0x28;
	v18 =	vshll.u32 v18, $0x7  }
0x2e: {  	v18 =	vor.u32 v5, v18;
	_ =	sdelay $0x4  }
0x2f: {  	[tilespmem:v18+s11+$0x0] =	vst.idx.msk vm4, v1  }
0x30: {  	v18 =	vld [tilespmem:$0x50];
	_ =	sdelay $0x4  }
0x31: {  	vm5 =	vlt.u32 v18, $0x28;
	v18 =	vshll.u32 v18, $0x7  }
0x32: {  	v18 =	vor.u32 v6, v18;
	_ =	sdelay $0x4  }
0x33: {  	[tilespmem:v18+s11+$0x0] =	vst.idx.msk vm5, v1  }
0x34: {  	v18 =	vld [tilespmem:$0x60];
	_ =	sdelay $0x4  }
0x35: {  	vm6 =	vlt.u32 v18, $0x28;
	v18 =	vshll.u32 v18, $0x7  }
0x36: {  	v18 =	vor.u32 v7, v18;
	_ =	sdelay $0x4  }
0x37: {  	[tilespmem:v18+s11+$0x0] =	vst.idx.msk vm6, v1  }
0x38: {  	v18 =	vld [tilespmem:$0x70];
	_ =	sdelay $0x4  }
0x39: {  	vm7 =	vlt.u32 v18, $0x28;
	v18 =	vshll.u32 v18, $0x7  }
0x3a: {  	v18 =	vor.u32 v8, v18;
	_ =	sdelay $0x4  }
0x3b: {  	[tilespmem:v18+s11+$0x0] =	vst.idx.msk vm7, v1  }
0x3c: {  	[hbm4b:s6+s13] =	stream.strided.scatter [tilespmem:s11], [sflag:$0x1], $0x1400, s14, s13, $0x38;
	[tilespmem:$0x3400] =	vst v63  }
0x3d: {  	v18 =	vld [tilespmem:$0x0];
	_ =	sdelay $0x4  }
0x3e: {  	v19 =	vadd.s32 $0xFFFFFFD8, v18  }
0x3f: {  	v18 =	vshll.u32 v18, $0x7;
	vm8 =	vlt.u32 v19, $0x28  }
0x40: {  	v18 =	vadd.s32 v9, v18;
	_ =	sdelay $0x4  }
0x41: {  	[tilespmem:v18+s12+$0x0] =	vst.idx.msk vm8, v1  }
0x42: {  	v18 =	vld [tilespmem:$0x10];
	_ =	sdelay $0x4  }
0x43: {  	v19 =	vadd.s32 $0xFFFFFFD8, v18  }
0x44: {  	v18 =	vshll.u32 v18, $0x7;
	vm9 =	vlt.u32 v19, $0x28  }
0x45: {  	v18 =	vadd.s32 v10, v18;
	_ =	sdelay $0x4  }
0x46: {  	[tilespmem:v18+s12+$0x0] =	vst.idx.msk vm9, v1  }
0x47: {  	v18 =	vld [tilespmem:$0x20];
	_ =	sdelay $0x4  }
0x48: {  	v19 =	vadd.s32 $0xFFFFFFD8, v18  }
0x49: {  	v18 =	vshll.u32 v18, $0x7;
	vm10 =	vlt.u32 v19, $0x28  }
0x4a: {  	v18 =	vadd.s32 v11, v18;
	_ =	sdelay $0x4  }
0x4b: {  	[tilespmem:v18+s12+$0x0] =	vst.idx.msk vm10, v1  }
0x4c: {  	v18 =	vld [tilespmem:$0x30];
	_ =	sdelay $0x4  }
0x4d: {  	v19 =	vadd.s32 $0xFFFFFFD8, v18  }
0x4e: {  	v18 =	vshll.u32 v18, $0x7;
	vm11 =	vlt.u32 v19, $0x28  }
0x4f: {  	v18 =	vadd.s32 v12, v18;
	_ =	sdelay $0x4  }
0x50: {  	[tilespmem:v18+s12+$0x0] =	vst.idx.msk vm11, v1  }
0x51: {  	v18 =	vld [tilespmem:$0x40];
	_ =	sdelay $0x4  }
0x52: {  	v19 =	vadd.s32 $0xFFFFFFD8, v18  }
0x53: {  	v18 =	vshll.u32 v18, $0x7;
	vm12 =	vlt.u32 v19, $0x28  }
0x54: {  	v18 =	vadd.s32 v13, v18;
	_ =	sdelay $0x4  }
0x55: {  	[tilespmem:v18+s12+$0x0] =	vst.idx.msk vm12, v1  }
0x56: {  	v18 =	vld [tilespmem:$0x50];
	_ =	sdelay $0x4  }
0x57: {  	v19 =	vadd.s32 $0xFFFFFFD8, v18  }
0x58: {  	v18 =	vshll.u32 v18, $0x7;
	vm13 =	vlt.u32 v19, $0x28  }
0x59: {  	v18 =	vadd.s32 v14, v18;
	_ =	sdelay $0x4  }
0x5a: {  	[tilespmem:v18+s12+$0x0] =	vst.idx.msk vm13, v1  }
0x5b: {  	v18 =	vld [tilespmem:$0x60];
	_ =	sdelay $0x4  }
0x5c: {  	v19 =	vadd.s32 $0xFFFFFFD8, v18  }
0x5d: {  	v18 =	vshll.u32 v18, $0x7;
	vm14 =	vlt.u32 v19, $0x28  }
0x5e: {  	v18 =	vadd.s32 v15, v18;
	_ =	sdelay $0x4  }
0x5f: {  	[tilespmem:v18+s12+$0x0] =	vst.idx.msk vm14, v1  }
0x60: {  	v18 =	vld [tilespmem:$0x70];
	_ =	sdelay $0x4  }
0x61: {  	v19 =	vadd.s32 $0xFFFFFFD8, v18  }
0x62: {  	v18 =	vshll.u32 v18, $0x7;
	vm15 =	vlt.u32 v19, $0x28  }
0x63: {  	v18 =	vadd.s32 v16, v18;
	_ =	sdelay $0x2  }
0x64: {  	s19 =	simm.s32 $0x1  }
0x65: {  	s20 =	simm.s32 $0x2;
	s21 =	smov.u32 s10;
	s22 =	smov.u32 s9  }
0x66: {  	s23 =	simm.s32 $0x0;
	s25 =	simm.s32 $0x0;
	s24 =	simm.s32 $0x1;
	[tilespmem:v18+s12+$0x0] =	vst.idx.msk vm15, v1  }
0x67: {  	[hbm4b:s7+s13] =	stream.strided.scatter [tilespmem:s12], [sflag:$0x2], $0x1400, s14, s13, $0x38;
	[tilespmem:$0x3400] =	vst v63  }
.LBB2_2:
0x68: {  	s26 =	sshll.u32 s25, $0x10  }
0x69: {  	s26 =	sshra.s32 s26, $0x10  }
0x6a: {  	s26 =	smul.u32 $0x147B, s26;
	_ =	sdelay $0x1  }
0x6b: {  	s28 =	sshrl.u32 s26, $0x1F;
	s26 =	sshra.s32 s26, $0x11  }
0x6c: {  	s26 =	sadd.s32 s28, s26  }
0x6d: {  	s28 =	smul.u32 $0xFFFFFFE7, s26  }
0x6e: {  	s29 =	ssub.s32 $0x0, s25  }
0x6f: {  	s29 =	sand.u32 $0xFFFF, s29;
	s28 =	sand.u32 $0xFFFF, s28  }
0x70: {  	p0 =	slt.u32 s24, $0x2;
	p1 =	sne.s32 s28, s29  }
0x71: {  	p0 =	por !p0, !p1  }
0x72: {  	s28 =	simm.s32 $0x1;
	p0 =	por !p0, !p0  }
0x73: {  	s28 =	simm.s32 @!p0 $0x0  }
0x74: {  	s31 =	smulhi.u32 $0x51EB851F, s25;
	_ =	swait.ge [sflag:s15], $0x1400;
	s26 =	ssub.s32 s26, s28  }
0x75: {  	[sflag:s15] =	ssyncset.done $0x0;
	s26 =	sshll.u32 s26, $0x9  }
0x76: {  	[sflag:s15] =	ssyncadd.s32 $0xFFFFEC00;
	s29 =	sshrl.u32 s31, $0x3;
	s26 =	sshra.s32 s26, $0x2  }
0x77: {  	s28 =	ssub.s32 s29, s28;
	v18 =	vld [tilespmem:s26+$0x0]  }
0x78: {  	s28 =	smul.u32 $0xFFFFFC18, s28;
	_ =	sdelay $0x1  }
0x79: {  	s28 =	sadd.s32 s28, s23  }
0x7a: {  	v19 =	vmov s28  }
0x7b: {  	v18 =	vsub.s32 v18, v19  }
0x7c: {  	vm0 =	vlt.u32 v18, $0x28;
	v18 =	vshll.u32 v18, $0x7  }
0x7d: {  	v18 =	vor.u32 v0, v18;
	_ =	sdelay $0x4  }
0x7e: {  	[tilespmem:v18+s11+$0x0] =	vst.idx.msk vm0, v17  }
0x7f: {  	v18 =	vld [tilespmem:s26+$0x10];
	_ =	sdelay $0x4  }
0x80: {  	v18 =	vsub.s32 v18, v19  }
0x81: {  	vm9 =	vlt.u32 v18, $0x28;
	v18 =	vshll.u32 v18, $0x7  }
0x82: {  	v18 =	vor.u32 v2, v18;
	_ =	sdelay $0x4  }
0x83: {  	[tilespmem:v18+s11+$0x0] =	vst.idx.msk vm9, v17  }
0x84: {  	v18 =	vld [tilespmem:s26+$0x20];
	_ =	sdelay $0x4  }
0x85: {  	v18 =	vsub.s32 v18, v19  }
0x86: {  	vm10 =	vlt.u32 v18, $0x28;
	v18 =	vshll.u32 v18, $0x7  }
0x87: {  	v18 =	vor.u32 v3, v18;
	_ =	sdelay $0x4  }
0x88: {  	[tilespmem:v18+s11+$0x0] =	vst.idx.msk vm10, v17  }
0x89: {  	v18 =	vld [tilespmem:s26+$0x30];
	_ =	sdelay $0x4  }
0x8a: {  	v18 =	vsub.s32 v18, v19  }
0x8b: {  	vm11 =	vlt.u32 v18, $0x28;
	v18 =	vshll.u32 v18, $0x7  }
0x8c: {  	v18 =	vor.u32 v4, v18;
	_ =	sdelay $0x4  }
0x8d: {  	[tilespmem:v18+s11+$0x0] =	vst.idx.msk vm11, v17  }
0x8e: {  	v18 =	vld [tilespmem:s26+$0x40];
	_ =	sdelay $0x4  }
0x8f: {  	v18 =	vsub.s32 v18, v19  }
0x90: {  	vm12 =	vlt.u32 v18, $0x28;
	v18 =	vshll.u32 v18, $0x7  }
0x91: {  	v18 =	vor.u32 v5, v18;
	_ =	sdelay $0x4  }
0x92: {  	[tilespmem:v18+s11+$0x0] =	vst.idx.msk vm12, v17  }
0x93: {  	v18 =	vld [tilespmem:s26+$0x50];
	_ =	sdelay $0x4  }
0x94: {  	v18 =	vsub.s32 v18, v19  }
0x95: {  	vm13 =	vlt.u32 v18, $0x28;
	v18 =	vshll.u32 v18, $0x7  }
0x96: {  	v18 =	vor.u32 v6, v18;
	_ =	sdelay $0x4  }
0x97: {  	[tilespmem:v18+s11+$0x0] =	vst.idx.msk vm13, v17  }
0x98: {  	v18 =	vld [tilespmem:s26+$0x60];
	_ =	sdelay $0x4  }
0x99: {  	v18 =	vsub.s32 v18, v19  }
0x9a: {  	vm14 =	vlt.u32 v18, $0x28;
	v18 =	vshll.u32 v18, $0x7  }
0x9b: {  	v18 =	vor.u32 v7, v18;
	_ =	sdelay $0x4  }
0x9c: {  	[tilespmem:v18+s11+$0x0] =	vst.idx.msk vm14, v17  }
0x9d: {  	v18 =	vld [tilespmem:s26+$0x70];
	_ =	sdelay $0x2  }
0x9e: {  	s28 =	smul.u32 $0x47AF, s25;
	_ =	sdelay $0x1  }
0x9f: {  	s30 =	sadd.s32 $0x8F5E, s28;
	v18 =	vsub.s32 v18, v19  }
0xa0: {  	s29 =	sshrl.u32 s30, $0x10;
	s26 =	sadd.s32 $0x2, s25;
	vm15 =	vlt.u32 v18, $0x28;
	v18 =	vshll.u32 v18, $0x7  }
0xa1: {  	s30 =	ssub.s32 s26, s29;
	v18 =	vor.u32 v8, v18  }
0xa2: {  	s30 =	sand.u32 $0xFFFE, s30  }
0xa3: {  	s30 =	sshrl.u32 s30, $0x1  }
0xa4: {  	s31 =	smulhi.u32 $0x51EB851F, s20;
	s29 =	sadd.s32 s29, s30  }
0xa5: {  	s29 =	sand.u32 $0xFFF0, s29  }
0xa6: {  	s31 =	sshrl.u32 s31, $0x3;
	s29 =	sshll.u32 s29, $0x3;
	[tilespmem:v18+s11+$0x0] =	vst.idx.msk vm15, v17  }
0xa7: {  	s30 =	smul.u32 $0x3E8, s31;
	v18 =	vld [tilespmem:s29+$0x0];
	_ =	sdelay $0x1  }
0xa8: {  	s30 =	ssub.s32 s23, s30  }
0xa9: {  	s30 =	sadd.s32 $0x50, s30  }
0xaa: {  	v19 =	vmov s30  }
0xab: {  	v18 =	vsub.s32 v18, v19  }
0xac: {  	vm4 =	vlt.u32 v18, $0x28;
	v18 =	vshll.u32 v18, $0x7  }
0xad: {  	v18 =	vor.u32 v0, v18;
	_ =	sdelay $0x4  }
0xae: {  	[tilespmem:v18+s11+$0x0] =	vst.idx.msk vm4, v1  }
0xaf: {  	v18 =	vld [tilespmem:s29+$0x10];
	_ =	sdelay $0x4  }
0xb0: {  	v18 =	vsub.s32 v18, v19  }
0xb1: {  	vm5 =	vlt.u32 v18, $0x28;
	v18 =	vshll.u32 v18, $0x7  }
0xb2: {  	v18 =	vor.u32 v2, v18;
	_ =	sdelay $0x4  }
0xb3: {  	[tilespmem:v18+s11+$0x0] =	vst.idx.msk vm5, v1  }
0xb4: {  	v18 =	vld [tilespmem:s29+$0x20];
	_ =	sdelay $0x4  }
0xb5: {  	v18 =	vsub.s32 v18, v19  }
0xb6: {  	vm6 =	vlt.u32 v18, $0x28;
	v18 =	vshll.u32 v18, $0x7  }
0xb7: {  	v18 =	vor.u32 v3, v18;
	_ =	sdelay $0x4  }
0xb8: {  	[tilespmem:v18+s11+$0x0] =	vst.idx.msk vm6, v1  }
0xb9: {  	v18 =	vld [tilespmem:s29+$0x30];
	_ =	sdelay $0x4  }
0xba: {  	v18 =	vsub.s32 v18, v19  }
0xbb: {  	vm7 =	vlt.u32 v18, $0x28;
	v18 =	vshll.u32 v18, $0x7  }
0xbc: {  	v18 =	vor.u32 v4, v18;
	_ =	sdelay $0x4  }
0xbd: {  	[tilespmem:v18+s11+$0x0] =	vst.idx.msk vm7, v1  }
0xbe: {  	v18 =	vld [tilespmem:s29+$0x40];
	_ =	sdelay $0x4  }
0xbf: {  	v18 =	vsub.s32 v18, v19  }
0xc0: {  	vm8 =	vlt.u32 v18, $0x28;
	v18 =	vshll.u32 v18, $0x7  }
0xc1: {  	v18 =	vor.u32 v5, v18;
	_ =	sdelay $0x4  }
0xc2: {  	[tilespmem:v18+s11+$0x0] =	vst.idx.msk vm8, v1  }
0xc3: {  	v18 =	vld [tilespmem:s29+$0x50];
	_ =	sdelay $0x4  }
0xc4: {  	v18 =	vsub.s32 v18, v19  }
0xc5: {  	vm9 =	vlt.u32 v18, $0x28;
	v18 =	vshll.u32 v18, $0x7  }
0xc6: {  	v18 =	vor.u32 v6, v18;
	_ =	sdelay $0x4  }
0xc7: {  	[tilespmem:v18+s11+$0x0] =	vst.idx.msk vm9, v1  }
0xc8: {  	v18 =	vld [tilespmem:s29+$0x60];
	_ =	sdelay $0x4  }
0xc9: {  	v18 =	vsub.s32 v18, v19  }
0xca: {  	vm10 =	vlt.u32 v18, $0x28;
	v18 =	vshll.u32 v18, $0x7  }
0xcb: {  	v18 =	vor.u32 v7, v18;
	_ =	sdelay $0x4  }
0xcc: {  	[tilespmem:v18+s11+$0x0] =	vst.idx.msk vm10, v1  }
0xcd: {  	v18 =	vld [tilespmem:s29+$0x70];
	_ =	sdelay $0x4  }
0xce: {  	v18 =	vsub.s32 v18, v19  }
0xcf: {  	vm11 =	vlt.u32 v18, $0x28;
	v18 =	vshll.u32 v18, $0x7  }
0xd0: {  	v18 =	vor.u32 v8, v18;
	_ =	sdelay $0x2  }
0xd1: {  	s31 =	smul.u32 $0x147B, s25  }
0xd2: {  	s30 =	sshrl.u32 s21, $0x3  }
0xd3: {  	s31 =	sadd.s32 $0x147B, s31;
	s29 =	sadd.s32 s3, s30;
	[tilespmem:v18+s11+$0x0] =	vst.idx.msk vm11, v1  }
0xd4: {  	[hbm4b:s29+s13] =	stream.strided.scatter [tilespmem:s11], [sflag:$0x1], $0x1400, s14, s13, $0x38;
	[tilespmem:$0x3400] =	vst v63  }
0xd5: {  	s30 =	sshrl.u32 s31, $0x1F;
	s29 =	sshra.s32 s31, $0x11  }
0xd6: {  	s31 =	smulhi.u32 $0x51EB851F, s19;
	s29 =	sadd.s32 s30, s29;
	_ =	swait.ge [sflag:s16], $0x1400  }
0xd7: {  	[sflag:s16] =	ssyncset.done $0x0;
	s29 =	sshll.u32 s29, $0x9  }
0xd8: {  	s31 =	sshrl.u32 s31, $0x3;
	[sflag:s16] =	ssyncadd.s32 $0xFFFFEC00;
	s29 =	sshra.s32 s29, $0x2  }
0xd9: {  	s30 =	smul.u32 $0x3E8, s31;
	v18 =	vld [tilespmem:s29+$0x0];
	_ =	sdelay $0x1  }
0xda: {  	s30 =	ssub.s32 s23, s30  }
0xdb: {  	s30 =	sadd.s32 $0x28, s30  }
0xdc: {  	v19 =	vmov s30  }
0xdd: {  	v18 =	vsub.s32 v18, v19  }
0xde: {  	vm12 =	vlt.u32 v18, $0x28;
	v18 =	vshll.u32 v18, $0x7  }
0xdf: {  	v18 =	vor.u32 v0, v18;
	_ =	sdelay $0x4  }
0xe0: {  	[tilespmem:v18+s12+$0x0] =	vst.idx.msk vm12, v17  }
0xe1: {  	v18 =	vld [tilespmem:s29+$0x10];
	_ =	sdelay $0x4  }
0xe2: {  	v18 =	vsub.s32 v18, v19  }
0xe3: {  	vm13 =	vlt.u32 v18, $0x28;
	v18 =	vshll.u32 v18, $0x7  }
0xe4: {  	v18 =	vor.u32 v2, v18;
	_ =	sdelay $0x4  }
0xe5: {  	[tilespmem:v18+s12+$0x0] =	vst.idx.msk vm13, v17  }
0xe6: {  	v18 =	vld [tilespmem:s29+$0x20];
	_ =	sdelay $0x4  }
0xe7: {  	v18 =	vsub.s32 v18, v19  }
0xe8: {  	vm14 =	vlt.u32 v18, $0x28;
	v18 =	vshll.u32 v18, $0x7  }
0xe9: {  	v18 =	vor.u32 v3, v18;
	_ =	sdelay $0x4  }
0xea: {  	[tilespmem:v18+s12+$0x0] =	vst.idx.msk vm14, v17  }
0xeb: {  	v18 =	vld [tilespmem:s29+$0x30];
	_ =	sdelay $0x4  }
0xec: {  	v18 =	vsub.s32 v18, v19  }
0xed: {  	vm15 =	vlt.u32 v18, $0x28;
	v18 =	vshll.u32 v18, $0x7  }
0xee: {  	v18 =	vor.u32 v4, v18;
	_ =	sdelay $0x4  }
0xef: {  	[tilespmem:v18+s12+$0x0] =	vst.idx.msk vm15, v17  }
0xf0: {  	v18 =	vld [tilespmem:s29+$0x40];
	_ =	sdelay $0x4  }
0xf1: {  	v18 =	vsub.s32 v18, v19  }
0xf2: {  	vm4 =	vlt.u32 v18, $0x28;
	v18 =	vshll.u32 v18, $0x7  }
0xf3: {  	v18 =	vor.u32 v5, v18;
	_ =	sdelay $0x4  }
0xf4: {  	[tilespmem:v18+s12+$0x0] =	vst.idx.msk vm4, v17  }
0xf5: {  	v18 =	vld [tilespmem:s29+$0x50];
	_ =	sdelay $0x4  }
0xf6: {  	v18 =	vsub.s32 v18, v19  }
0xf7: {  	vm5 =	vlt.u32 v18, $0x28;
	v18 =	vshll.u32 v18, $0x7  }
0xf8: {  	v18 =	vor.u32 v6, v18;
	_ =	sdelay $0x4  }
0xf9: {  	[tilespmem:v18+s12+$0x0] =	vst.idx.msk vm5, v17  }
0xfa: {  	v18 =	vld [tilespmem:s29+$0x60];
	_ =	sdelay $0x4  }
0xfb: {  	v18 =	vsub.s32 v18, v19  }
0xfc: {  	vm6 =	vlt.u32 v18, $0x28;
	v18 =	vshll.u32 v18, $0x7  }
0xfd: {  	v18 =	vor.u32 v7, v18;
	_ =	sdelay $0x4  }
0xfe: {  	[tilespmem:v18+s12+$0x0] =	vst.idx.msk vm6, v17  }
0xff: {  	v18 =	vld [tilespmem:s29+$0x70];
	_ =	sdelay $0x3  }
0x100: {  	s28 =	sadd.s32 $0xD70D, s28  }
0x101: {  	s28 =	sshrl.u32 s28, $0x10;
	v18 =	vsub.s32 v18, v19  }
0x102: {  	s30 =	ssub.s32 s25, s28;
	vm7 =	vlt.u32 v18, $0x28;
	v18 =	vshll.u32 v18, $0x7  }
0x103: {  	s29 =	sadd.s32 $0x3, s30;
	v18 =	vor.u32 v8, v18  }
0x104: {  	s29 =	sand.u32 $0xFFFE, s29  }
0x105: {  	s29 =	sshrl.u32 s29, $0x1  }
0x106: {  	s31 =	smulhi.u32 $0x51EB851F, s18;
	s28 =	sadd.s32 s28, s29  }
0x107: {  	s28 =	sand.u32 $0xFFF0, s28  }
0x108: {  	s31 =	sshrl.u32 s31, $0x3;
	s28 =	sshll.u32 s28, $0x3;
	[tilespmem:v18+s12+$0x0] =	vst.idx.msk vm7, v17  }
0x109: {  	s29 =	smul.u32 $0x3E8, s31;
	v18 =	vld [tilespmem:s28+$0x0];
	_ =	sdelay $0x1  }
0x10a: {  	s29 =	ssub.s32 s23, s29  }
0x10b: {  	s29 =	sadd.s32 $0x78, s29  }
0x10c: {  	v19 =	vmov s29  }
0x10d: {  	v18 =	vsub.s32 v18, v19  }
0x10e: {  	vm8 =	vlt.u32 v18, $0x28;
	v18 =	vshll.u32 v18, $0x7  }
0x10f: {  	v18 =	vor.u32 v0, v18;
	_ =	sdelay $0x4  }
0x110: {  	[tilespmem:v18+s12+$0x0] =	vst.idx.msk vm8, v1  }
0x111: {  	v18 =	vld [tilespmem:s28+$0x10];
	_ =	sdelay $0x4  }
0x112: {  	v18 =	vsub.s32 v18, v19  }
0x113: {  	vm9 =	vlt.u32 v18, $0x28;
	v18 =	vshll.u32 v18, $0x7  }
0x114: {  	v18 =	vor.u32 v2, v18;
	_ =	sdelay $0x4  }
0x115: {  	[tilespmem:v18+s12+$0x0] =	vst.idx.msk vm9, v1  }
0x116: {  	v18 =	vld [tilespmem:s28+$0x20];
	_ =	sdelay $0x4  }
0x117: {  	v18 =	vsub.s32 v18, v19  }
0x118: {  	vm10 =	vlt.u32 v18, $0x28;
	v18 =	vshll.u32 v18, $0x7  }
0x119: {  	v18 =	vor.u32 v3, v18;
	_ =	sdelay $0x4  }
0x11a: {  	[tilespmem:v18+s12+$0x0] =	vst.idx.msk vm10, v1  }
0x11b: {  	v18 =	vld [tilespmem:s28+$0x30];
	_ =	sdelay $0x4  }
0x11c: {  	v18 =	vsub.s32 v18, v19  }
0x11d: {  	vm11 =	vlt.u32 v18, $0x28;
	v18 =	vshll.u32 v18, $0x7  }
0x11e: {  	v18 =	vor.u32 v4, v18;
	_ =	sdelay $0x4  }
0x11f: {  	[tilespmem:v18+s12+$0x0] =	vst.idx.msk vm11, v1  }
0x120: {  	v18 =	vld [tilespmem:s28+$0x40];
	_ =	sdelay $0x4  }
0x121: {  	v18 =	vsub.s32 v18, v19  }
0x122: {  	vm12 =	vlt.u32 v18, $0x28;
	v18 =	vshll.u32 v18, $0x7  }
0x123: {  	v18 =	vor.u32 v5, v18;
	_ =	sdelay $0x4  }
0x124: {  	[tilespmem:v18+s12+$0x0] =	vst.idx.msk vm12, v1  }
0x125: {  	v18 =	vld [tilespmem:s28+$0x50];
	_ =	sdelay $0x4  }
0x126: {  	v18 =	vsub.s32 v18, v19  }
0x127: {  	vm13 =	vlt.u32 v18, $0x28;
	v18 =	vshll.u32 v18, $0x7  }
0x128: {  	v18 =	vor.u32 v6, v18;
	_ =	sdelay $0x4  }
0x129: {  	[tilespmem:v18+s12+$0x0] =	vst.idx.msk vm13, v1  }
0x12a: {  	v18 =	vld [tilespmem:s28+$0x60];
	_ =	sdelay $0x4  }
0x12b: {  	v18 =	vsub.s32 v18, v19  }
0x12c: {  	vm14 =	vlt.u32 v18, $0x28;
	v18 =	vshll.u32 v18, $0x7  }
0x12d: {  	v18 =	vor.u32 v7, v18;
	_ =	sdelay $0x4  }
0x12e: {  	[tilespmem:v18+s12+$0x0] =	vst.idx.msk vm14, v1  }
0x12f: {  	v18 =	vld [tilespmem:s28+$0x70];
	_ =	sdelay $0x4  }
0x130: {  	v18 =	vsub.s32 v18, v19  }
0x131: {  	vm15 =	vlt.u32 v18, $0x28;
	v18 =	vshll.u32 v18, $0x7  }
0x132: {  	v18 =	vor.u32 v8, v18;
	_ =	sdelay $0x1  }
0x133: {  	p0 =	sne.s32 s25, $0x1F0  }
.Ltmp0:
0x134: {  	_ = 	snop;
	(pc) =	sbr.rel @p0 .LBB2_2-.Ltmp0, $4  }
0x135: {  	s24 =	sadd.s32 $0x1, s24;
	s20 =	sadd.s32 $0x2, s20  }
0x136: {  	s21 =	sadd.s32 $0x50000, s21;
	s19 =	sadd.s32 $0x2, s19;
	s18 =	sadd.s32 $0x2, s18;
	[tilespmem:v18+s12+$0x0] =	vst.idx.msk vm15, v1  }
0x137: {  	[hbm4b:s22+s13] =	stream.strided.scatter [tilespmem:s12], [sflag:$0x2], $0x1400, s14, s13, $0x38;
	[tilespmem:$0x3400] =	vst v63  }
0x138: {  	s25 =	smov.u32 s26;
	s23 =	sadd.s32 $0x50, s23;
	s22 =	sadd.s32 $0xA000, s22  }
0x139: {  	s17 =	sadd.s32 $0x1, s17  }
0x13a: {  	_ =	swait.ge [sflag:s15], $0x1400;
	p0 =	sne.s32 s17, s8  }
.Ltmp1:
0x13b: {  	[sflag:s15] =	ssyncset.done $0x0;
	(pc) =	sbr.rel @p0 .LBB2_1-.Ltmp1, $4  }
0x13c: {  	[sflag:s15] =	ssyncadd.s32 $0xFFFFEC00  }
0x13d: {  	_ =	swait.ge [sflag:s16], $0x1400  }
0x13e: {  	[sflag:s16] =	ssyncset.done $0x0  }
0x13f: {  	[sflag:s16] =	ssyncadd.s32 $0xFFFFEC00  }
0x140: {  	_ =	sfence.sel $0x180000  }
0x141: {  	[bflag:$0x0] =	sbarrier.arrive $0xFFFF  }
0x142: {  	p0 =	sne.s32 s0, $0x0;
	_ =	strace $0x90000047  }
0x143: {  	s0 =	sadd.s32 @!p0 $0x100000, s1;
	[bflag:$0x2] =	sbarrier.arrive $0xFFFF  }
0x144: {  	[sflag:s0] =	ssyncadd.tile.s32 @!p0 $0x1;
	_ =	shalt  }
.Lfunc_end2:
_tile_overlayer_lowered:
.L_overlay_start_2:
0x145: {  	(tag) =	ssettag $0x2  }
0x146: {  	s0 =	rddreg [dreg:$0x0];
	s2 =	stileid.u32  }
0x147: {  	s1 =	rddreg [dreg:$0x1];
	p0 =	sne.s32 s2, $0x0  }
0x148: {  	s3 =	rddreg [dreg:$0x2];
	[bflag:$0x3] =	sbarrier.arrive $0xFFFF;
	s2 =	simm.s32 @!p0 $0x1C03  }
0x149: {  	[timem:s3], [sflag:s2] =	dma.local @!p0 [hbm:s0], s1  }
0x14a: {  	s0 =	simm.s32 @!p0 $0x3  }
0x14b: {  	_ =	swait.ge @!p0 [sflag:s0], s1  }
0x14c: {  	s1 =	ssub.s32 @!p0 $0x0, s1;
	[sflag:s0] =	ssyncset.done @!p0 $0x0  }
0x14d: {  	[sflag:s0] =	ssyncadd.s32 @!p0 s1  }
0x14e: {  	[bflag:$0x3] =	sbarrier.arrive $0xFFFF  }
0x14f: {  	_ =	shalt  }

</sc_bundles>
